<compile_context>
chip_gen: v7x
topology: tpu7x:2x2x1
jax: 0.10.2.dev20260603
libtpu: 0.0.44.dev20260713+nightly
codegen_flags: <defaults>
</compile_context>

<pallas_src>
import functools

import jax
import jax.numpy as jnp
from jax import lax
from jax.experimental import pallas as pl
from jax.experimental.pallas import tpu as pltpu
from jax.experimental.pallas import tpu_sc as plsc

NC = 2
NS = 16
NW = NC * NS
K = 400


def _sigmoid(v):
    return 1.0 / (1.0 + jnp.exp(-v))


def _silu(v):
    return v * _sigmoid(v)


def _precompute_body(x_ref, wst_ref, wrt_ref, xs_ref, xr_ref):
    xb = x_ref[...]
    xs_ref[...] = jnp.dot(xb, wst_ref[...], preferred_element_type=jnp.float32)
    xr_ref[...] = jnp.dot(xb, wrt_ref[...], preferred_element_type=jnp.float32)


def _precompute(x, wst, wrt, nb):
    n, d = x.shape
    grid = (n // nb,)
    return pl.pallas_call(
        _precompute_body,
        grid=grid,
        in_specs=[
            pl.BlockSpec((nb, d), lambda i: (i, 0)),
            pl.BlockSpec((d, d), lambda i: (0, 0)),
            pl.BlockSpec((d, d), lambda i: (0, 0)),
        ],
        out_specs=[
            pl.BlockSpec((nb, d), lambda i: (i, 0)),
            pl.BlockSpec((nb, d), lambda i: (i, 0)),
        ],
        out_shape=[
            jax.ShapeDtypeStruct((n, d), jnp.float32),
            jax.ShapeDtypeStruct((n, d), jnp.float32),
        ],
    )(x, wst, wrt)


BLK = 128
CB = 3
KG = CB * BLK


def _make_gather(n, d, e, dp):
    blocks = e // BLK
    nb = blocks // NW
    extra = blocks % NW
    nchunk = nb // CB
    assert nb % CB == 0
    ppr = BLK * dp // 128
    mesh = plsc.VectorSubcoreMesh(core_axis_name="c", subcore_axis_name="s")

    @functools.partial(
        pl.kernel,
        mesh=mesh,
        out_type=[
            jax.ShapeDtypeStruct((e, d // 2), jnp.float32),
            jax.ShapeDtypeStruct((e, d // 2), jnp.float32),
            jax.ShapeDtypeStruct((e, dp), jnp.float32),
            jax.ShapeDtypeStruct((e, dp), jnp.float32),
        ],
        scratch_types=[
            pltpu.VMEM((KG,), jnp.int32),
            pltpu.VMEM((KG,), jnp.int32),
            pltpu.VMEM((KG, d // 2), jnp.float32),
            pltpu.VMEM((KG, d // 2), jnp.float32),
            pltpu.VMEM((KG, dp), jnp.float32),
            pltpu.VMEM((KG, dp), jnp.float32),
            pltpu.SemaphoreType.DMA,
            pltpu.SemaphoreType.DMA,
            pltpu.SemaphoreType.DMA,
            pltpu.SemaphoreType.DMA,
        ],
        compiler_params=pltpu.CompilerParams(use_tc_tiling_on_sc=False),
    )
    def gather_kernel(xs_hbm, xr_hbm, send_hbm, rec_hbm, pp_hbm,
                      gs_hbm, gr_hbm, ps_hbm, pr_hbm,
                      sidx_v, ridx_v, sbuf, rbuf, psbuf, prbuf,
                      s1, s2, s3, s4):
        c = lax.axis_index("c")
        s = lax.axis_index("s")
        wid = s * NC + c
        start = (wid * nb + jnp.minimum(wid, extra)) * BLK

        def do_chunk(base, ke, kp):
            pltpu.sync_copy(send_hbm.at[pl.ds(base, ke)],
                            sidx_v.at[pl.ds(0, ke)])
            pltpu.sync_copy(rec_hbm.at[pl.ds(base, ke)],
                            ridx_v.at[pl.ds(0, ke)])
            c1 = pltpu.async_copy(xs_hbm.at[sidx_v.at[pl.ds(0, ke)]],
                                  sbuf.at[pl.ds(0, ke)], s1)
            c2 = pltpu.async_copy(xr_hbm.at[ridx_v.at[pl.ds(0, ke)]],
                                  rbuf.at[pl.ds(0, ke)], s2)
            c3 = pltpu.async_copy(pp_hbm.at[sidx_v.at[pl.ds(0, ke)]],
                                  psbuf.at[pl.ds(0, ke)], s3)
            c4 = pltpu.async_copy(pp_hbm.at[ridx_v.at[pl.ds(0, ke)]],
                                  prbuf.at[pl.ds(0, ke)], s4)
            c1.wait()
            pltpu.sync_copy(sbuf.at[pl.ds(0, ke)], gs_hbm.at[pl.ds(base, ke)])
            c2.wait()
            pltpu.sync_copy(rbuf.at[pl.ds(0, ke)], gr_hbm.at[pl.ds(base, ke)])
            c3.wait()
            pltpu.sync_copy(psbuf.at[pl.ds(0, ke)], ps_hbm.at[pl.ds(base, ke)])
            c4.wait()
            pltpu.sync_copy(prbuf.at[pl.ds(0, ke)], pr_hbm.at[pl.ds(base, ke)])

        def chunk(i, carry):
            do_chunk(start + i * KG, KG, CB * ppr)
            return carry

        lax.fori_loop(0, nchunk, chunk, 0)

        @pl.when(wid < extra)
        def _tail_block():
            do_chunk(start + nb * BLK, BLK, ppr)

    return gather_kernel


def _edge_mlp_body(gs_ref, gr_ref, ps_ref, pr_ref, sel_ref, wdlo_ref, wdhi_ref,
                   b1lo_ref, b1hi_ref, ae_ref, ao_ref, b2_ref, msg_ref):
    rb2 = gs_ref.shape[0]
    rb = 2 * rb2
    d = gs_ref.shape[1]
    diff = ps_ref[...] - pr_ref[...]
    d2 = jnp.dot(diff * diff, sel_ref[...],
                 preferred_element_type=jnp.float32)
    dist16 = jnp.sqrt(d2)
    distlo = jnp.dot(dist16, wdlo_ref[...],
                     preferred_element_type=jnp.float32).reshape(rb2, d)
    disthi = jnp.dot(dist16, wdhi_ref[...],
                     preferred_element_type=jnp.float32).reshape(rb2, d)
    us = pltpu.bitcast(gs_ref[...], jnp.uint32)
    ur = pltpu.bitcast(gr_ref[...], jnp.uint32)
    glo = (pltpu.bitcast(us << 16, jnp.float32)
           + pltpu.bitcast(ur << 16, jnp.float32))
    ghi = (pltpu.bitcast(us & jnp.uint32(0xFFFF0000), jnp.float32)
           + pltpu.bitcast(ur & jnp.uint32(0xFFFF0000), jnp.float32))
    h_lo = _silu(glo + distlo + b1lo_ref[...]).astype(jnp.bfloat16)
    h_hi = _silu(ghi + disthi + b1hi_ref[...]).astype(jnp.bfloat16)
    m = (jnp.dot(h_lo, ae_ref[...], preferred_element_type=jnp.float32)
         + jnp.dot(h_hi, ao_ref[...], preferred_element_type=jnp.float32)
         + b2_ref[...])
    msg_ref[...] = _silu(m).reshape(rb, d)


def _edge_mlp(gsp, grp, psp, prp, sel, wdlo, wdhi, b1lo, b1hi, ae, ao, b2_2,
              rb):
    e2, d = gsp.shape
    e = 2 * e2
    grid = (e // rb,)
    return pl.pallas_call(
        _edge_mlp_body,
        grid=grid,
        in_specs=[
            pl.BlockSpec((rb // 2, d), lambda i: (i, 0)),
            pl.BlockSpec((rb // 2, d), lambda i: (i, 0)),
            pl.BlockSpec((rb // 16, 128), lambda i: (i, 0)),
            pl.BlockSpec((rb // 16, 128), lambda i: (i, 0)),
            pl.BlockSpec((128, 16), lambda i: (0, 0)),
            pl.BlockSpec((16, 8 * d), lambda i: (0, 0)),
            pl.BlockSpec((16, 8 * d), lambda i: (0, 0)),
            pl.BlockSpec((1, d), lambda i: (0, 0)),
            pl.BlockSpec((1, d), lambda i: (0, 0)),
            pl.BlockSpec((d, 2 * d), lambda i: (0, 0)),
            pl.BlockSpec((d, 2 * d), lambda i: (0, 0)),
            pl.BlockSpec((1, 2 * d), lambda i: (0, 0)),
        ],
        out_specs=pl.BlockSpec((rb, d), lambda i: (i, 0)),
        out_shape=jax.ShapeDtypeStruct((e, d), jnp.float32),
    )(gsp, grp, psp, prp, sel, wdlo, wdhi, b1lo, b1hi, ae, ao, b2_2)


def _make_scatter(n, d, e):
    ks = 200
    ep = e // NW
    nchunk = ep // ks
    rpt = (n // NS) // 8 * 8
    rem = n - NS * rpt
    spans = [(r0, min(ks, rpt - r0)) for r0 in range(0, rpt, ks)]
    mesh = plsc.VectorSubcoreMesh(core_axis_name="c", subcore_axis_name="s")

    @functools.partial(
        pl.kernel,
        mesh=mesh,
        out_type=jax.ShapeDtypeStruct((NC * n, d), jnp.float32),
        scratch_types=[
            pltpu.VMEM_SHARED((n, d), jnp.float32),
            pltpu.VMEM((ks, d), jnp.float32),
            pltpu.VMEM((ks,), jnp.int32),
            pltpu.SemaphoreType.DMA,
        ],
    )
    def scatter_kernel(msg_hbm, rec_hbm, zero_hbm, out_hbm, aggr_sh, mbuf,
                       ridx_v, sem):
        c = lax.axis_index("c")
        s = lax.axis_index("s")
        wid = s * NC + c
        rows0 = s * rpt
        for r0, nr in spans:
            pltpu.sync_copy(zero_hbm.at[pl.ds(0, nr)],
                            aggr_sh.at[pl.ds(rows0 + r0, nr)])

        @pl.when(s == NS - 1)
        def _zero_rem():
            pltpu.sync_copy(zero_hbm.at[pl.ds(0, rem)],
                            aggr_sh.at[pl.ds(NS * rpt, rem)])

        plsc.subcore_barrier()

        def chunk(i, carry):
            base = wid * ep + i * ks
            pltpu.sync_copy(rec_hbm.at[pl.ds(base, ks)], ridx_v)
            pltpu.sync_copy(msg_hbm.at[pl.ds(base, ks)], mbuf)
            pltpu.sync_copy(mbuf, aggr_sh.at[ridx_v], add=True)
            return carry

        lax.fori_loop(0, nchunk, chunk, 0)
        plsc.subcore_barrier()
        for r0, nr in spans:
            pltpu.sync_copy(aggr_sh.at[pl.ds(rows0 + r0, nr)],
                            mbuf.at[pl.ds(0, nr)])
            pltpu.sync_copy(mbuf.at[pl.ds(0, nr)],
                            out_hbm.at[pl.ds(c * n + rows0 + r0, nr)])

        @pl.when(s == NS - 1)
        def _write_rem():
            pltpu.sync_copy(aggr_sh.at[pl.ds(NS * rpt, rem)],
                            mbuf.at[pl.ds(0, rem)])
            pltpu.sync_copy(mbuf.at[pl.ds(0, rem)],
                            out_hbm.at[pl.ds(c * n + NS * rpt, rem)])

    return scatter_kernel


def _node_mlp_body(x_ref, p0_ref, p1_ref, wxt_ref, wat_ref, ub1_ref,
                   uw2t_ref, ub2_ref, out_ref):
    aggr = p0_ref[...] + p1_ref[...]
    pre = (jnp.dot(x_ref[...], wxt_ref[...], preferred_element_type=jnp.float32)
           + jnp.dot(aggr, wat_ref[...], preferred_element_type=jnp.float32)
           + ub1_ref[...])
    u = _silu(pre)
    out_ref[...] = (jnp.dot(u, uw2t_ref[...], preferred_element_type=jnp.float32)
                    + ub2_ref[...])


def _node_mlp(x, partials, wxt, wat, ub1, uw2t, ub2, nb):
    n, d = x.shape
    nblocks = n // nb
    grid = (nblocks,)
    return pl.pallas_call(
        _node_mlp_body,
        grid=grid,
        in_specs=[
            pl.BlockSpec((nb, d), lambda i: (i, 0)),
            pl.BlockSpec((nb, d), lambda i: (i, 0)),
            pl.BlockSpec((nb, d), lambda i, nblocks=nblocks: (i + nblocks, 0)),
            pl.BlockSpec((d, d), lambda i: (0, 0)),
            pl.BlockSpec((d, d), lambda i: (0, 0)),
            pl.BlockSpec((1, d), lambda i: (0, 0)),
            pl.BlockSpec((d, d), lambda i: (0, 0)),
            pl.BlockSpec((1, d), lambda i: (0, 0)),
        ],
        out_specs=pl.BlockSpec((nb, d), lambda i: (i, 0)),
        out_shape=jax.ShapeDtypeStruct((n, d), jnp.float32),
    )(x, partials, partials, wxt, wat, ub1, uw2t, ub2)


def kernel(x, pos, edge_index, mW1, mb1, mW2, mb2, uW1, ub1, uW2, ub2):
    n, d = x.shape
    e = edge_index.shape[1]
    assert e % (NW * K) == 0 and n % NS == 0 and n % 8 == 0

    send = edge_index[0]
    rec = edge_index[1]
    wst = mW1[:, :d].T
    wrt = mW1[:, d:2 * d].T
    wd = mW1[:, 2 * d].reshape(1, d)

    xs, xr = _precompute(x, wst, wrt, 2000)
    xsp = lax.bitcast_convert_type(
        xs.astype(jnp.bfloat16).reshape(n, d // 2, 2), jnp.float32)
    xrp = lax.bitcast_convert_type(
        xr.astype(jnp.bfloat16).reshape(n, d // 2, 2), jnp.float32)

    dp = 8
    pos_pad = jnp.zeros((n, dp), jnp.float32).at[:, :3].set(pos)
    gsp, grp, ps, pr = _make_gather(n, d, e, dp)(xsp, xrp, send, rec, pos_pad)
    gsp = gsp.reshape(e // 2, d)
    grp = grp.reshape(e // 2, d)
    psp = ps.reshape(e * dp // 128, 128)
    prp = pr.reshape(e * dp // 128, 128)
    sel = jnp.repeat(jnp.eye(16, dtype=jnp.float32), dp, axis=0)
    col = jnp.arange(8 * d)
    jc, wc = col // d, col % d
    half, feat = wc // 64, 2 * (wc % 64)
    mask = (jnp.arange(16)[:, None] == (2 * jc + half)[None, :]).astype(
        jnp.float32)
    wdlo = mask * wd[0][feat][None, :]
    wdhi = mask * wd[0][feat + 1][None, :]
    lane = jnp.arange(d)
    b1lo = mb1[2 * (lane % 64)].reshape(1, d)
    b1hi = mb1[2 * (lane % 64) + 1].reshape(1, d)
    w2t = mW2.T
    we = w2t[0::2].astype(jnp.bfloat16)
    wo = w2t[1::2].astype(jnp.bfloat16)
    ae = jnp.zeros((d, 2 * d), jnp.bfloat16).at[:d // 2, :d].set(
        we).at[d // 2:, d:].set(we)
    ao = jnp.zeros((d, 2 * d), jnp.bfloat16).at[:d // 2, :d].set(
        wo).at[d // 2:, d:].set(wo)
    b2_2 = jnp.concatenate([mb2, mb2]).reshape(1, 2 * d)

    msg = _edge_mlp(gsp, grp, psp, prp, sel, wdlo, wdhi, b1lo, b1hi,
                    ae, ao, b2_2, 1280)

    zero = jnp.zeros((200, d), jnp.float32)
    partials = _make_scatter(n, d, e)(msg, rec, zero)

    return _node_mlp(x, partials, uW1[:, :d].T, uW1[:, d:].T,
                     ub1.reshape(1, d), uW2.T, ub2.reshape(1, d), 2000)

# --- scband reference (transcript-rebuilt; emitter-appended) ---
"""Pipeline reference for scband-egnnlayer-11630771437665 (READ-ONLY COPY).

The authoritative reference and input builder live on the scoring server;
editing this copy changes nothing except your own understanding.
"""

import jax, jax.numpy as jnp
import numpy as np

def silu(x):
    return x * jax.nn.sigmoid(x)

def linear(x, W, b):
    return x @ W.T + b

def setup_inputs(seed: int = 0) -> dict:
    key = jax.random.key(seed)
    ks = jax.random.split(key, 12)
    N, d, E = 10000, 128, 320000
    x = jax.random.normal(ks[0], (N, d), dtype=jnp.float32)
    pos = jax.random.normal(ks[1], (N, 3), dtype=jnp.float32)
    edge_index = jax.random.randint(ks[2], (2, E), 0, N, dtype=jnp.int32)
    s = 0.05
    # message_mlp: Linear(2d+1 -> d), SiLU, Linear(d -> d), SiLU
    mW1 = jax.random.normal(ks[3], (d, 2 * d + 1), dtype=jnp.float32) * s
    mb1 = jax.random.normal(ks[4], (d,), dtype=jnp.float32) * s
    mW2 = jax.random.normal(ks[5], (d, d), dtype=jnp.float32) * s
    mb2 = jax.random.normal(ks[6], (d,), dtype=jnp.float32) * s
    # update_mlp: Linear(2d -> d), SiLU, Linear(d -> d)
    uW1 = jax.random.normal(ks[7], (d, 2 * d), dtype=jnp.float32) * s
    ub1 = jax.random.normal(ks[8], (d,), dtype=jnp.float32) * s
    uW2 = jax.random.normal(ks[9], (d, d), dtype=jnp.float32) * s
    ub2 = jax.random.normal(ks[10], (d,), dtype=jnp.float32) * s
    return {"x": x, "pos": pos, "edge_index": edge_index,
            "mW1": mW1, "mb1": mb1, "mW2": mW2, "mb2": mb2,
            "uW1": uW1, "ub1": ub1, "uW2": uW2, "ub2": ub2}

def reference(x, pos, edge_index, mW1, mb1, mW2, mb2, uW1, ub1, uW2, ub2):
    send = edge_index[0]
    rec = edge_index[1]
    diff = pos[send] - pos[rec]
    dist = jnp.sqrt(jnp.sum(diff * diff, axis=1))
    state = jnp.concatenate([x[send], x[rec], dist[:, None]], axis=1)
    h = silu(linear(state, mW1, mb1))
    message = silu(linear(h, mW2, mb2))
    aggr = jnp.zeros((x.shape[0], message.shape[1]), dtype=x.dtype).at[rec].add(message)
    u = silu(linear(jnp.concatenate([x, aggr], axis=1), uW1, ub1))
    update = linear(u, uW2, ub2)
    return update

if __name__ == "__main__":
    import jax
    _d = setup_inputs()
    print(jax.jit(kernel)(*tuple(_d.values())))

</pallas_src>

<mosaic_0001>
#map = affine_map<(d0, d1) -> (0, 0)>
#map1 = affine_map<(d0, d1) -> (0)>
module attributes {stable_mosaic.version = 14 : i64} {
  func.func @scatter_kernel(%arg0: i32, %arg1: i32, %arg2: memref<320000x128xf32, #tpu.memory_space<hbm>>, %arg3: memref<320000xi32, #tpu.memory_space<hbm>>, %arg4: memref<200x128xf32, #tpu.memory_space<hbm>>, %arg5: memref<20000x128xf32, #tpu.memory_space<hbm>>, %arg6: memref<10000x128xf32, #tpu.memory_space<vmem_shared>>, %arg7: memref<200x128xf32, #tpu.memory_space<vmem>>, %arg8: memref<200xi32, #tpu.memory_space<vmem>>, %arg9: memref<!tpu.dma_semaphore, #tpu.memory_space<semaphore_mem>>) attributes {dimension_semantics = [#tpu.dimension_semantics<core_parallel>, #tpu.dimension_semantics<subcore_parallel>], iteration_bounds = array<i64: 2, 16>, scalar_prefetch = 0 : i64, scratch_operands = 4 : i64, tpu.core_type = #tpu.core_type<sc_vector_subcore>, window_params = [{transform_indices = #map}, {transform_indices = #map1}, {transform_indices = #map}, {transform_indices = #map}]} {
    %mul3A = arith.constant 2 : i32
    %mul3A_0 = arith.muli %arg1, %mul3A : i32
    %add3A = arith.addi %mul3A_0, %arg0 : i32
    %mul3A_1 = arith.constant 624 : i32
    %mul3A_2 = arith.muli %arg1, %mul3A_1 : i32
    %add3A_3 = arith.constant 0 : i32
    %add3A_4 = arith.addi %mul3A_2, %add3A_3 : i32
    "tpu.region"() ({
      %run_scoped3A = tpu.sem_alloc : memref<!tpu.dma_semaphore, #tpu.memory_space<semaphore_mem>>
      %dma_start3A = arith.constant 0 : i32
      %dma_start3A_52 = tpu.memref_slice %arg6[%add3A_4, %dma_start3A] : memref<10000x128xf32, #tpu.memory_space<vmem_shared>> -> memref<200x128xf32, #tpu.memory_space<vmem_shared>>
      %dma_start3A_53 = arith.constant 0 : i32
      %dma_start3A_54 = arith.constant 0 : i32
      %dma_start3A_55 = tpu.memref_slice %arg4[%dma_start3A_53, %dma_start3A_54] : memref<200x128xf32, #tpu.memory_space<hbm>> -> memref<200x128xf32, #tpu.memory_space<hbm>>
      tpu.enqueue_dma source(%dma_start3A_55 : memref<200x128xf32, #tpu.memory_space<hbm>>) target(%dma_start3A_52 : memref<200x128xf32, #tpu.memory_space<vmem_shared>>) target_semaphore(%run_scoped3A : memref<!tpu.dma_semaphore, #tpu.memory_space<semaphore_mem>>)
      %dma_wait3A = arith.constant 0 : i32
      %dma_wait3A_56 = tpu.memref_slice %arg6[%add3A_4, %dma_wait3A] : memref<10000x128xf32, #tpu.memory_space<vmem_shared>> -> memref<200x128xf32, #tpu.memory_space<vmem_shared>>
      %dma_wait3A_57 = arith.constant 0 : i32
      %dma_wait3A_58 = arith.constant 0 : i32
      %dma_wait3A_59 = tpu.memref_slice %arg4[%dma_wait3A_57, %dma_wait3A_58] : memref<200x128xf32, #tpu.memory_space<hbm>> -> memref<200x128xf32, #tpu.memory_space<hbm>>
      tpu.wait_dma2 semaphore(%run_scoped3A : memref<!tpu.dma_semaphore, #tpu.memory_space<semaphore_mem>>) src(%dma_wait3A_59 : memref<200x128xf32, #tpu.memory_space<hbm>>) dst(%dma_wait3A_56 : memref<200x128xf32, #tpu.memory_space<vmem_shared>>)
      tpu.yield
    }) : () -> ()
    %add3A_5 = arith.constant 200 : i32
    %add3A_6 = arith.addi %mul3A_2, %add3A_5 : i32
    "tpu.region"() ({
      %run_scoped3A = tpu.sem_alloc : memref<!tpu.dma_semaphore, #tpu.memory_space<semaphore_mem>>
      %dma_start3A = arith.constant 0 : i32
      %dma_start3A_52 = tpu.memref_slice %arg6[%add3A_6, %dma_start3A] : memref<10000x128xf32, #tpu.memory_space<vmem_shared>> -> memref<200x128xf32, #tpu.memory_space<vmem_shared>>
      %dma_start3A_53 = arith.constant 0 : i32
      %dma_start3A_54 = arith.constant 0 : i32
      %dma_start3A_55 = tpu.memref_slice %arg4[%dma_start3A_53, %dma_start3A_54] : memref<200x128xf32, #tpu.memory_space<hbm>> -> memref<200x128xf32, #tpu.memory_space<hbm>>
      tpu.enqueue_dma source(%dma_start3A_55 : memref<200x128xf32, #tpu.memory_space<hbm>>) target(%dma_start3A_52 : memref<200x128xf32, #tpu.memory_space<vmem_shared>>) target_semaphore(%run_scoped3A : memref<!tpu.dma_semaphore, #tpu.memory_space<semaphore_mem>>)
      %dma_wait3A = arith.constant 0 : i32
      %dma_wait3A_56 = tpu.memref_slice %arg6[%add3A_6, %dma_wait3A] : memref<10000x128xf32, #tpu.memory_space<vmem_shared>> -> memref<200x128xf32, #tpu.memory_space<vmem_shared>>
      %dma_wait3A_57 = arith.constant 0 : i32
      %dma_wait3A_58 = arith.constant 0 : i32
      %dma_wait3A_59 = tpu.memref_slice %arg4[%dma_wait3A_57, %dma_wait3A_58] : memref<200x128xf32, #tpu.memory_space<hbm>> -> memref<200x128xf32, #tpu.memory_space<hbm>>
      tpu.wait_dma2 semaphore(%run_scoped3A : memref<!tpu.dma_semaphore, #tpu.memory_space<semaphore_mem>>) src(%dma_wait3A_59 : memref<200x128xf32, #tpu.memory_space<hbm>>) dst(%dma_wait3A_56 : memref<200x128xf32, #tpu.memory_space<vmem_shared>>)
      tpu.yield
    }) : () -> ()
    %add3A_7 = arith.constant 400 : i32
    %add3A_8 = arith.addi %mul3A_2, %add3A_7 : i32
    "tpu.region"() ({
      %run_scoped3A = tpu.sem_alloc : memref<!tpu.dma_semaphore, #tpu.memory_space<semaphore_mem>>
      %dma_start3A = arith.constant 0 : i32
      %dma_start3A_52 = tpu.memref_slice %arg6[%add3A_8, %dma_start3A] : memref<10000x128xf32, #tpu.memory_space<vmem_shared>> -> memref<200x128xf32, #tpu.memory_space<vmem_shared>>
      %dma_start3A_53 = arith.constant 0 : i32
      %dma_start3A_54 = arith.constant 0 : i32
      %dma_start3A_55 = tpu.memref_slice %arg4[%dma_start3A_53, %dma_start3A_54] : memref<200x128xf32, #tpu.memory_space<hbm>> -> memref<200x128xf32, #tpu.memory_space<hbm>>
      tpu.enqueue_dma source(%dma_start3A_55 : memref<200x128xf32, #tpu.memory_space<hbm>>) target(%dma_start3A_52 : memref<200x128xf32, #tpu.memory_space<vmem_shared>>) target_semaphore(%run_scoped3A : memref<!tpu.dma_semaphore, #tpu.memory_space<semaphore_mem>>)
      %dma_wait3A = arith.constant 0 : i32
      %dma_wait3A_56 = tpu.memref_slice %arg6[%add3A_8, %dma_wait3A] : memref<10000x128xf32, #tpu.memory_space<vmem_shared>> -> memref<200x128xf32, #tpu.memory_space<vmem_shared>>
      %dma_wait3A_57 = arith.constant 0 : i32
      %dma_wait3A_58 = arith.constant 0 : i32
      %dma_wait3A_59 = tpu.memref_slice %arg4[%dma_wait3A_57, %dma_wait3A_58] : memref<200x128xf32, #tpu.memory_space<hbm>> -> memref<200x128xf32, #tpu.memory_space<hbm>>
      tpu.wait_dma2 semaphore(%run_scoped3A : memref<!tpu.dma_semaphore, #tpu.memory_space<semaphore_mem>>) src(%dma_wait3A_59 : memref<200x128xf32, #tpu.memory_space<hbm>>) dst(%dma_wait3A_56 : memref<200x128xf32, #tpu.memory_space<vmem_shared>>)
      tpu.yield
    }) : () -> ()
    %add3A_9 = arith.constant 600 : i32
    %add3A_10 = arith.addi %mul3A_2, %add3A_9 : i32
    "tpu.region"() ({
      %run_scoped3A = tpu.sem_alloc : memref<!tpu.dma_semaphore, #tpu.memory_space<semaphore_mem>>
      %dma_start3A = arith.constant 0 : i32
      %dma_start3A_52 = tpu.memref_slice %arg6[%add3A_10, %dma_start3A] : memref<10000x128xf32, #tpu.memory_space<vmem_shared>> -> memref<24x128xf32, #tpu.memory_space<vmem_shared>>
      %dma_start3A_53 = arith.constant 0 : i32
      %dma_start3A_54 = arith.constant 0 : i32
      %dma_start3A_55 = tpu.memref_slice %arg4[%dma_start3A_53, %dma_start3A_54] : memref<200x128xf32, #tpu.memory_space<hbm>> -> memref<24x128xf32, #tpu.memory_space<hbm>>
      tpu.enqueue_dma source(%dma_start3A_55 : memref<24x128xf32, #tpu.memory_space<hbm>>) target(%dma_start3A_52 : memref<24x128xf32, #tpu.memory_space<vmem_shared>>) target_semaphore(%run_scoped3A : memref<!tpu.dma_semaphore, #tpu.memory_space<semaphore_mem>>)
      %dma_wait3A = arith.constant 0 : i32
      %dma_wait3A_56 = tpu.memref_slice %arg6[%add3A_10, %dma_wait3A] : memref<10000x128xf32, #tpu.memory_space<vmem_shared>> -> memref<24x128xf32, #tpu.memory_space<vmem_shared>>
      %dma_wait3A_57 = arith.constant 0 : i32
      %dma_wait3A_58 = arith.constant 0 : i32
      %dma_wait3A_59 = tpu.memref_slice %arg4[%dma_wait3A_57, %dma_wait3A_58] : memref<200x128xf32, #tpu.memory_space<hbm>> -> memref<24x128xf32, #tpu.memory_space<hbm>>
      tpu.wait_dma2 semaphore(%run_scoped3A : memref<!tpu.dma_semaphore, #tpu.memory_space<semaphore_mem>>) src(%dma_wait3A_59 : memref<24x128xf32, #tpu.memory_space<hbm>>) dst(%dma_wait3A_56 : memref<24x128xf32, #tpu.memory_space<vmem_shared>>)
      tpu.yield
    }) : () -> ()
    %eq3A = arith.constant 15 : i32
    %eq3A_11 = arith.cmpi eq, %arg1, %eq3A : i32
    %convert_element_type3A = arith.extui %eq3A_11 : i1 to i32
    %cond3A = arith.constant 0 : i32
    %cond3A_12 = arith.cmpi ne, %convert_element_type3A, %cond3A : i32
    scf.if %cond3A_12 {
      "tpu.region"() ({
        %run_scoped3A = tpu.sem_alloc : memref<!tpu.dma_semaphore, #tpu.memory_space<semaphore_mem>>
        %dma_start3A = arith.constant 9984 : i32
        %dma_start3A_52 = arith.constant 0 : i32
        %dma_start3A_53 = tpu.memref_slice %arg6[%dma_start3A, %dma_start3A_52] : memref<10000x128xf32, #tpu.memory_space<vmem_shared>> -> memref<16x128xf32, #tpu.memory_space<vmem_shared>>
        %dma_start3A_54 = arith.constant 0 : i32
        %dma_start3A_55 = arith.constant 0 : i32
        %dma_start3A_56 = tpu.memref_slice %arg4[%dma_start3A_54, %dma_start3A_55] : memref<200x128xf32, #tpu.memory_space<hbm>> -> memref<16x128xf32, #tpu.memory_space<hbm>>
        tpu.enqueue_dma source(%dma_start3A_56 : memref<16x128xf32, #tpu.memory_space<hbm>>) target(%dma_start3A_53 : memref<16x128xf32, #tpu.memory_space<vmem_shared>>) target_semaphore(%run_scoped3A : memref<!tpu.dma_semaphore, #tpu.memory_space<semaphore_mem>>)
        %dma_wait3A = arith.constant 9984 : i32
        %dma_wait3A_57 = arith.constant 0 : i32
        %dma_wait3A_58 = tpu.memref_slice %arg6[%dma_wait3A, %dma_wait3A_57] : memref<10000x128xf32, #tpu.memory_space<vmem_shared>> -> memref<16x128xf32, #tpu.memory_space<vmem_shared>>
        %dma_wait3A_59 = arith.constant 0 : i32
        %dma_wait3A_60 = arith.constant 0 : i32
        %dma_wait3A_61 = tpu.memref_slice %arg4[%dma_wait3A_59, %dma_wait3A_60] : memref<200x128xf32, #tpu.memory_space<hbm>> -> memref<16x128xf32, #tpu.memory_space<hbm>>
        tpu.wait_dma2 semaphore(%run_scoped3A : memref<!tpu.dma_semaphore, #tpu.memory_space<semaphore_mem>>) src(%dma_wait3A_61 : memref<16x128xf32, #tpu.memory_space<hbm>>) dst(%dma_wait3A_58 : memref<16x128xf32, #tpu.memory_space<vmem_shared>>)
        tpu.yield
      }) : () -> ()
    } else {
    }
    %barrier3A = arith.constant 0 : index
    tpu.barrier barrier_id(%barrier3A)
    %scan3A = arith.constant 0 : i32
    %scan3A_13 = arith.constant 0 : i32
    %scan3A_14 = arith.constant 50 : i32
    %scan3A_15 = arith.addi %scan3A_13, %scan3A_14 : i32
    %scan3A_16 = arith.constant 1 : i32
    scf.for %scan3A_52 = %scan3A_13 to %scan3A_15 step %scan3A_16  : i32 {
      %mul3A_53 = arith.constant 10000 : i32
      %mul3A_54 = arith.muli %add3A, %mul3A_53 : i32
      %mul3A_55 = arith.constant 200 : i32
      %mul3A_56 = arith.muli %scan3A_52, %mul3A_55 : i32
      %add3A_57 = arith.addi %mul3A_54, %mul3A_56 : i32
      "tpu.region"() ({
        %run_scoped3A = tpu.sem_alloc : memref<!tpu.dma_semaphore, #tpu.memory_space<semaphore_mem>>
        %dma_start3A = tpu.memref_slice %arg3[%add3A_57] : memref<320000xi32, #tpu.memory_space<hbm>> -> memref<200xi32, #tpu.memory_space<hbm>>
        %dma_start3A_58 = tpu.memref_slice %arg3[%add3A_57] : memref<320000xi32, #tpu.memory_space<hbm>> -> memref<200xi32, #tpu.memory_space<hbm>>
        tpu.enqueue_dma source(%dma_start3A_58 : memref<200xi32, #tpu.memory_space<hbm>>) target(%arg8 : memref<200xi32, #tpu.memory_space<vmem>>) target_semaphore(%run_scoped3A : memref<!tpu.dma_semaphore, #tpu.memory_space<semaphore_mem>>)
        %dma_wait3A = tpu.memref_slice %arg3[%add3A_57] : memref<320000xi32, #tpu.memory_space<hbm>> -> memref<200xi32, #tpu.memory_space<hbm>>
        %dma_wait3A_59 = tpu.memref_slice %arg3[%add3A_57] : memref<320000xi32, #tpu.memory_space<hbm>> -> memref<200xi32, #tpu.memory_space<hbm>>
        tpu.wait_dma2 semaphore(%run_scoped3A : memref<!tpu.dma_semaphore, #tpu.memory_space<semaphore_mem>>) src(%dma_wait3A_59 : memref<200xi32, #tpu.memory_space<hbm>>) dst(%arg8 : memref<200xi32, #tpu.memory_space<vmem>>)
        tpu.yield
      }) : () -> ()
      "tpu.region"() ({
        %run_scoped3A = tpu.sem_alloc : memref<!tpu.dma_semaphore, #tpu.memory_space<semaphore_mem>>
        %dma_start3A = arith.constant 0 : i32
        %dma_start3A_58 = tpu.memref_slice %arg2[%add3A_57, %dma_start3A] : memref<320000x128xf32, #tpu.memory_space<hbm>> -> memref<200x128xf32, #tpu.memory_space<hbm>>
        %dma_start3A_59 = arith.constant 0 : i32
        %dma_start3A_60 = tpu.memref_slice %arg2[%add3A_57, %dma_start3A_59] : memref<320000x128xf32, #tpu.memory_space<hbm>> -> memref<200x128xf32, #tpu.memory_space<hbm>>
        tpu.enqueue_dma source(%dma_start3A_60 : memref<200x128xf32, #tpu.memory_space<hbm>>) target(%arg7 : memref<200x128xf32, #tpu.memory_space<vmem>>) target_semaphore(%run_scoped3A : memref<!tpu.dma_semaphore, #tpu.memory_space<semaphore_mem>>)
        %dma_wait3A = arith.constant 0 : i32
        %dma_wait3A_61 = tpu.memref_slice %arg2[%add3A_57, %dma_wait3A] : memref<320000x128xf32, #tpu.memory_space<hbm>> -> memref<200x128xf32, #tpu.memory_space<hbm>>
        %dma_wait3A_62 = arith.constant 0 : i32
        %dma_wait3A_63 = tpu.memref_slice %arg2[%add3A_57, %dma_wait3A_62] : memref<320000x128xf32, #tpu.memory_space<hbm>> -> memref<200x128xf32, #tpu.memory_space<hbm>>
        tpu.wait_dma2 semaphore(%run_scoped3A : memref<!tpu.dma_semaphore, #tpu.memory_space<semaphore_mem>>) src(%dma_wait3A_63 : memref<200x128xf32, #tpu.memory_space<hbm>>) dst(%arg7 : memref<200x128xf32, #tpu.memory_space<vmem>>)
        tpu.yield
      }) : () -> ()
      "tpu.region"() ({
        %run_scoped3A = tpu.sem_alloc : memref<!tpu.dma_semaphore, #tpu.memory_space<semaphore_mem>>
        %dma_start3A = arith.constant 0 : i32
        %dma_start3A_58 = arith.constant 0 : i32
        %dma_start3A_59 = tpu.memref_slice %arg6[%dma_start3A, %dma_start3A_58] : memref<10000x128xf32, #tpu.memory_space<vmem_shared>> -> memref<10000x128xf32, #tpu.memory_space<vmem_shared>>
        tpu.enqueue_indirect_dma source(%arg7 : memref<200x128xf32, #tpu.memory_space<vmem>>) target(%dma_start3A_59 : memref<10000x128xf32, #tpu.memory_space<vmem_shared>>) offsets(%arg8 : memref<200xi32, #tpu.memory_space<vmem>>) semaphore(%run_scoped3A : memref<!tpu.dma_semaphore, #tpu.memory_space<semaphore_mem>>) {add = true}
        %dma_wait3A = arith.constant 0 : i32
        %dma_wait3A_60 = arith.constant 0 : i32
        %dma_wait3A_61 = tpu.memref_slice %arg6[%dma_wait3A, %dma_wait3A_60] : memref<10000x128xf32, #tpu.memory_space<vmem_shared>> -> memref<10000x128xf32, #tpu.memory_space<vmem_shared>>
        tpu.wait_indirect_dma semaphore(%run_scoped3A : memref<!tpu.dma_semaphore, #tpu.memory_space<semaphore_mem>>) src(%arg7 : memref<200x128xf32, #tpu.memory_space<vmem>>) dst(%dma_wait3A_61 : memref<10000x128xf32, #tpu.memory_space<vmem_shared>>)
        tpu.yield
      }) : () -> ()
    }
    %scan3A_17 = arith.constant 50 : i32
    %barrier3A_18 = arith.constant 0 : index
    tpu.barrier barrier_id(%barrier3A_18)
    %add3A_19 = arith.constant 0 : i32
    %add3A_20 = arith.addi %mul3A_2, %add3A_19 : i32
    "tpu.region"() ({
      %run_scoped3A = tpu.sem_alloc : memref<!tpu.dma_semaphore, #tpu.memory_space<semaphore_mem>>
      %dma_start3A = arith.constant 0 : i32
      %dma_start3A_52 = arith.constant 0 : i32
      %dma_start3A_53 = tpu.memref_slice %arg7[%dma_start3A, %dma_start3A_52] : memref<200x128xf32, #tpu.memory_space<vmem>> -> memref<200x128xf32, #tpu.memory_space<vmem>>
      %dma_start3A_54 = arith.constant 0 : i32
      %dma_start3A_55 = tpu.memref_slice %arg6[%add3A_20, %dma_start3A_54] : memref<10000x128xf32, #tpu.memory_space<vmem_shared>> -> memref<200x128xf32, #tpu.memory_space<vmem_shared>>
      %dma_start3A_56 = arith.constant 0 : i32
      %dma_start3A_57 = arith.constant 0 : i32
      %dma_start3A_58 = tpu.memref_slice %arg7[%dma_start3A_56, %dma_start3A_57] : memref<200x128xf32, #tpu.memory_space<vmem>> -> memref<200x128xf32, #tpu.memory_space<vmem>>
      %dma_start3A_59 = arith.constant 0 : i32
      %dma_start3A_60 = tpu.memref_slice %arg6[%add3A_20, %dma_start3A_59] : memref<10000x128xf32, #tpu.memory_space<vmem_shared>> -> memref<200x128xf32, #tpu.memory_space<vmem_shared>>
      tpu.enqueue_dma source(%dma_start3A_60 : memref<200x128xf32, #tpu.memory_space<vmem_shared>>) target(%dma_start3A_58 : memref<200x128xf32, #tpu.memory_space<vmem>>) target_semaphore(%run_scoped3A : memref<!tpu.dma_semaphore, #tpu.memory_space<semaphore_mem>>)
      %dma_wait3A = arith.constant 0 : i32
      %dma_wait3A_61 = arith.constant 0 : i32
      %dma_wait3A_62 = tpu.memref_slice %arg7[%dma_wait3A, %dma_wait3A_61] : memref<200x128xf32, #tpu.memory_space<vmem>> -> memref<200x128xf32, #tpu.memory_space<vmem>>
      %dma_wait3A_63 = arith.constant 0 : i32
      %dma_wait3A_64 = tpu.memref_slice %arg6[%add3A_20, %dma_wait3A_63] : memref<10000x128xf32, #tpu.memory_space<vmem_shared>> -> memref<200x128xf32, #tpu.memory_space<vmem_shared>>
      %dma_wait3A_65 = arith.constant 0 : i32
      %dma_wait3A_66 = arith.constant 0 : i32
      %dma_wait3A_67 = tpu.memref_slice %arg7[%dma_wait3A_65, %dma_wait3A_66] : memref<200x128xf32, #tpu.memory_space<vmem>> -> memref<200x128xf32, #tpu.memory_space<vmem>>
      %dma_wait3A_68 = arith.constant 0 : i32
      %dma_wait3A_69 = tpu.memref_slice %arg6[%add3A_20, %dma_wait3A_68] : memref<10000x128xf32, #tpu.memory_space<vmem_shared>> -> memref<200x128xf32, #tpu.memory_space<vmem_shared>>
      tpu.wait_dma2 semaphore(%run_scoped3A : memref<!tpu.dma_semaphore, #tpu.memory_space<semaphore_mem>>) src(%dma_wait3A_69 : memref<200x128xf32, #tpu.memory_space<vmem_shared>>) dst(%dma_wait3A_67 : memref<200x128xf32, #tpu.memory_space<vmem>>)
      tpu.yield
    }) : () -> ()
    %mul3A_21 = arith.constant 10000 : i32
    %mul3A_22 = arith.muli %arg0, %mul3A_21 : i32
    %add3A_23 = arith.addi %mul3A_22, %mul3A_2 : i32
    %add3A_24 = arith.constant 0 : i32
    %add3A_25 = arith.addi %add3A_23, %add3A_24 : i32
    "tpu.region"() ({
      %run_scoped3A = tpu.sem_alloc : memref<!tpu.dma_semaphore, #tpu.memory_space<semaphore_mem>>
      %dma_start3A = arith.constant 0 : i32
      %dma_start3A_52 = arith.constant 0 : i32
      %dma_start3A_53 = tpu.memref_slice %arg7[%dma_start3A, %dma_start3A_52] : memref<200x128xf32, #tpu.memory_space<vmem>> -> memref<200x128xf32, #tpu.memory_space<vmem>>
      %dma_start3A_54 = arith.constant 0 : i32
      %dma_start3A_55 = tpu.memref_slice %arg5[%add3A_25, %dma_start3A_54] : memref<20000x128xf32, #tpu.memory_space<hbm>> -> memref<200x128xf32, #tpu.memory_space<hbm>>
      %dma_start3A_56 = arith.constant 0 : i32
      %dma_start3A_57 = tpu.memref_slice %arg5[%add3A_25, %dma_start3A_56] : memref<20000x128xf32, #tpu.memory_space<hbm>> -> memref<200x128xf32, #tpu.memory_space<hbm>>
      %dma_start3A_58 = arith.constant 0 : i32
      %dma_start3A_59 = arith.constant 0 : i32
      %dma_start3A_60 = tpu.memref_slice %arg7[%dma_start3A_58, %dma_start3A_59] : memref<200x128xf32, #tpu.memory_space<vmem>> -> memref<200x128xf32, #tpu.memory_space<vmem>>
      tpu.enqueue_dma source(%dma_start3A_60 : memref<200x128xf32, #tpu.memory_space<vmem>>) target(%dma_start3A_57 : memref<200x128xf32, #tpu.memory_space<hbm>>) target_semaphore(%run_scoped3A : memref<!tpu.dma_semaphore, #tpu.memory_space<semaphore_mem>>)
      %dma_wait3A = arith.constant 0 : i32
      %dma_wait3A_61 = arith.constant 0 : i32
      %dma_wait3A_62 = tpu.memref_slice %arg7[%dma_wait3A, %dma_wait3A_61] : memref<200x128xf32, #tpu.memory_space<vmem>> -> memref<200x128xf32, #tpu.memory_space<vmem>>
      %dma_wait3A_63 = arith.constant 0 : i32
      %dma_wait3A_64 = tpu.memref_slice %arg5[%add3A_25, %dma_wait3A_63] : memref<20000x128xf32, #tpu.memory_space<hbm>> -> memref<200x128xf32, #tpu.memory_space<hbm>>
      %dma_wait3A_65 = arith.constant 0 : i32
      %dma_wait3A_66 = tpu.memref_slice %arg5[%add3A_25, %dma_wait3A_65] : memref<20000x128xf32, #tpu.memory_space<hbm>> -> memref<200x128xf32, #tpu.memory_space<hbm>>
      %dma_wait3A_67 = arith.constant 0 : i32
      %dma_wait3A_68 = arith.constant 0 : i32
      %dma_wait3A_69 = tpu.memref_slice %arg7[%dma_wait3A_67, %dma_wait3A_68] : memref<200x128xf32, #tpu.memory_space<vmem>> -> memref<200x128xf32, #tpu.memory_space<vmem>>
      tpu.wait_dma2 semaphore(%run_scoped3A : memref<!tpu.dma_semaphore, #tpu.memory_space<semaphore_mem>>) src(%dma_wait3A_69 : memref<200x128xf32, #tpu.memory_space<vmem>>) dst(%dma_wait3A_66 : memref<200x128xf32, #tpu.memory_space<hbm>>)
      tpu.yield
    }) : () -> ()
    %add3A_26 = arith.constant 200 : i32
    %add3A_27 = arith.addi %mul3A_2, %add3A_26 : i32
    "tpu.region"() ({
      %run_scoped3A = tpu.sem_alloc : memref<!tpu.dma_semaphore, #tpu.memory_space<semaphore_mem>>
      %dma_start3A = arith.constant 0 : i32
      %dma_start3A_52 = arith.constant 0 : i32
      %dma_start3A_53 = tpu.memref_slice %arg7[%dma_start3A, %dma_start3A_52] : memref<200x128xf32, #tpu.memory_space<vmem>> -> memref<200x128xf32, #tpu.memory_space<vmem>>
      %dma_start3A_54 = arith.constant 0 : i32
      %dma_start3A_55 = tpu.memref_slice %arg6[%add3A_27, %dma_start3A_54] : memref<10000x128xf32, #tpu.memory_space<vmem_shared>> -> memref<200x128xf32, #tpu.memory_space<vmem_shared>>
      %dma_start3A_56 = arith.constant 0 : i32
      %dma_start3A_57 = arith.constant 0 : i32
      %dma_start3A_58 = tpu.memref_slice %arg7[%dma_start3A_56, %dma_start3A_57] : memref<200x128xf32, #tpu.memory_space<vmem>> -> memref<200x128xf32, #tpu.memory_space<vmem>>
      %dma_start3A_59 = arith.constant 0 : i32
      %dma_start3A_60 = tpu.memref_slice %arg6[%add3A_27, %dma_start3A_59] : memref<10000x128xf32, #tpu.memory_space<vmem_shared>> -> memref<200x128xf32, #tpu.memory_space<vmem_shared>>
      tpu.enqueue_dma source(%dma_start3A_60 : memref<200x128xf32, #tpu.memory_space<vmem_shared>>) target(%dma_start3A_58 : memref<200x128xf32, #tpu.memory_space<vmem>>) target_semaphore(%run_scoped3A : memref<!tpu.dma_semaphore, #tpu.memory_space<semaphore_mem>>)
      %dma_wait3A = arith.constant 0 : i32
      %dma_wait3A_61 = arith.constant 0 : i32
      %dma_wait3A_62 = tpu.memref_slice %arg7[%dma_wait3A, %dma_wait3A_61] : memref<200x128xf32, #tpu.memory_space<vmem>> -> memref<200x128xf32, #tpu.memory_space<vmem>>
      %dma_wait3A_63 = arith.constant 0 : i32
      %dma_wait3A_64 = tpu.memref_slice %arg6[%add3A_27, %dma_wait3A_63] : memref<10000x128xf32, #tpu.memory_space<vmem_shared>> -> memref<200x128xf32, #tpu.memory_space<vmem_shared>>
      %dma_wait3A_65 = arith.constant 0 : i32
      %dma_wait3A_66 = arith.constant 0 : i32
      %dma_wait3A_67 = tpu.memref_slice %arg7[%dma_wait3A_65, %dma_wait3A_66] : memref<200x128xf32, #tpu.memory_space<vmem>> -> memref<200x128xf32, #tpu.memory_space<vmem>>
      %dma_wait3A_68 = arith.constant 0 : i32
      %dma_wait3A_69 = tpu.memref_slice %arg6[%add3A_27, %dma_wait3A_68] : memref<10000x128xf32, #tpu.memory_space<vmem_shared>> -> memref<200x128xf32, #tpu.memory_space<vmem_shared>>
      tpu.wait_dma2 semaphore(%run_scoped3A : memref<!tpu.dma_semaphore, #tpu.memory_space<semaphore_mem>>) src(%dma_wait3A_69 : memref<200x128xf32, #tpu.memory_space<vmem_shared>>) dst(%dma_wait3A_67 : memref<200x128xf32, #tpu.memory_space<vmem>>)
      tpu.yield
    }) : () -> ()
    %mul3A_28 = arith.constant 10000 : i32
    %mul3A_29 = arith.muli %arg0, %mul3A_28 : i32
    %add3A_30 = arith.addi %mul3A_29, %mul3A_2 : i32
    %add3A_31 = arith.constant 200 : i32
    %add3A_32 = arith.addi %add3A_30, %add3A_31 : i32
    "tpu.region"() ({
      %run_scoped3A = tpu.sem_alloc : memref<!tpu.dma_semaphore, #tpu.memory_space<semaphore_mem>>
      %dma_start3A = arith.constant 0 : i32
      %dma_start3A_52 = arith.constant 0 : i32
      %dma_start3A_53 = tpu.memref_slice %arg7[%dma_start3A, %dma_start3A_52] : memref<200x128xf32, #tpu.memory_space<vmem>> -> memref<200x128xf32, #tpu.memory_space<vmem>>
      %dma_start3A_54 = arith.constant 0 : i32
      %dma_start3A_55 = tpu.memref_slice %arg5[%add3A_32, %dma_start3A_54] : memref<20000x128xf32, #tpu.memory_space<hbm>> -> memref<200x128xf32, #tpu.memory_space<hbm>>
      %dma_start3A_56 = arith.constant 0 : i32
      %dma_start3A_57 = tpu.memref_slice %arg5[%add3A_32, %dma_start3A_56] : memref<20000x128xf32, #tpu.memory_space<hbm>> -> memref<200x128xf32, #tpu.memory_space<hbm>>
      %dma_start3A_58 = arith.constant 0 : i32
      %dma_start3A_59 = arith.constant 0 : i32
      %dma_start3A_60 = tpu.memref_slice %arg7[%dma_start3A_58, %dma_start3A_59] : memref<200x128xf32, #tpu.memory_space<vmem>> -> memref<200x128xf32, #tpu.memory_space<vmem>>
      tpu.enqueue_dma source(%dma_start3A_60 : memref<200x128xf32, #tpu.memory_space<vmem>>) target(%dma_start3A_57 : memref<200x128xf32, #tpu.memory_space<hbm>>) target_semaphore(%run_scoped3A : memref<!tpu.dma_semaphore, #tpu.memory_space<semaphore_mem>>)
      %dma_wait3A = arith.constant 0 : i32
      %dma_wait3A_61 = arith.constant 0 : i32
      %dma_wait3A_62 = tpu.memref_slice %arg7[%dma_wait3A, %dma_wait3A_61] : memref<200x128xf32, #tpu.memory_space<vmem>> -> memref<200x128xf32, #tpu.memory_space<vmem>>
      %dma_wait3A_63 = arith.constant 0 : i32
      %dma_wait3A_64 = tpu.memref_slice %arg5[%add3A_32, %dma_wait3A_63] : memref<20000x128xf32, #tpu.memory_space<hbm>> -> memref<200x128xf32, #tpu.memory_space<hbm>>
      %dma_wait3A_65 = arith.constant 0 : i32
      %dma_wait3A_66 = tpu.memref_slice %arg5[%add3A_32, %dma_wait3A_65] : memref<20000x128xf32, #tpu.memory_space<hbm>> -> memref<200x128xf32, #tpu.memory_space<hbm>>
      %dma_wait3A_67 = arith.constant 0 : i32
      %dma_wait3A_68 = arith.constant 0 : i32
      %dma_wait3A_69 = tpu.memref_slice %arg7[%dma_wait3A_67, %dma_wait3A_68] : memref<200x128xf32, #tpu.memory_space<vmem>> -> memref<200x128xf32, #tpu.memory_space<vmem>>
      tpu.wait_dma2 semaphore(%run_scoped3A : memref<!tpu.dma_semaphore, #tpu.memory_space<semaphore_mem>>) src(%dma_wait3A_69 : memref<200x128xf32, #tpu.memory_space<vmem>>) dst(%dma_wait3A_66 : memref<200x128xf32, #tpu.memory_space<hbm>>)
      tpu.yield
    }) : () -> ()
    %add3A_33 = arith.constant 400 : i32
    %add3A_34 = arith.addi %mul3A_2, %add3A_33 : i32
    "tpu.region"() ({
      %run_scoped3A = tpu.sem_alloc : memref<!tpu.dma_semaphore, #tpu.memory_space<semaphore_mem>>
      %dma_start3A = arith.constant 0 : i32
      %dma_start3A_52 = arith.constant 0 : i32
      %dma_start3A_53 = tpu.memref_slice %arg7[%dma_start3A, %dma_start3A_52] : memref<200x128xf32, #tpu.memory_space<vmem>> -> memref<200x128xf32, #tpu.memory_space<vmem>>
      %dma_start3A_54 = arith.constant 0 : i32
      %dma_start3A_55 = tpu.memref_slice %arg6[%add3A_34, %dma_start3A_54] : memref<10000x128xf32, #tpu.memory_space<vmem_shared>> -> memref<200x128xf32, #tpu.memory_space<vmem_shared>>
      %dma_start3A_56 = arith.constant 0 : i32
      %dma_start3A_57 = arith.constant 0 : i32
      %dma_start3A_58 = tpu.memref_slice %arg7[%dma_start3A_56, %dma_start3A_57] : memref<200x128xf32, #tpu.memory_space<vmem>> -> memref<200x128xf32, #tpu.memory_space<vmem>>
      %dma_start3A_59 = arith.constant 0 : i32
      %dma_start3A_60 = tpu.memref_slice %arg6[%add3A_34, %dma_start3A_59] : memref<10000x128xf32, #tpu.memory_space<vmem_shared>> -> memref<200x128xf32, #tpu.memory_space<vmem_shared>>
      tpu.enqueue_dma source(%dma_start3A_60 : memref<200x128xf32, #tpu.memory_space<vmem_shared>>) target(%dma_start3A_58 : memref<200x128xf32, #tpu.memory_space<vmem>>) target_semaphore(%run_scoped3A : memref<!tpu.dma_semaphore, #tpu.memory_space<semaphore_mem>>)
      %dma_wait3A = arith.constant 0 : i32
      %dma_wait3A_61 = arith.constant 0 : i32
      %dma_wait3A_62 = tpu.memref_slice %arg7[%dma_wait3A, %dma_wait3A_61] : memref<200x128xf32, #tpu.memory_space<vmem>> -> memref<200x128xf32, #tpu.memory_space<vmem>>
      %dma_wait3A_63 = arith.constant 0 : i32
      %dma_wait3A_64 = tpu.memref_slice %arg6[%add3A_34, %dma_wait3A_63] : memref<10000x128xf32, #tpu.memory_space<vmem_shared>> -> memref<200x128xf32, #tpu.memory_space<vmem_shared>>
      %dma_wait3A_65 = arith.constant 0 : i32
      %dma_wait3A_66 = arith.constant 0 : i32
      %dma_wait3A_67 = tpu.memref_slice %arg7[%dma_wait3A_65, %dma_wait3A_66] : memref<200x128xf32, #tpu.memory_space<vmem>> -> memref<200x128xf32, #tpu.memory_space<vmem>>
      %dma_wait3A_68 = arith.constant 0 : i32
      %dma_wait3A_69 = tpu.memref_slice %arg6[%add3A_34, %dma_wait3A_68] : memref<10000x128xf32, #tpu.memory_space<vmem_shared>> -> memref<200x128xf32, #tpu.memory_space<vmem_shared>>
      tpu.wait_dma2 semaphore(%run_scoped3A : memref<!tpu.dma_semaphore, #tpu.memory_space<semaphore_mem>>) src(%dma_wait3A_69 : memref<200x128xf32, #tpu.memory_space<vmem_shared>>) dst(%dma_wait3A_67 : memref<200x128xf32, #tpu.memory_space<vmem>>)
      tpu.yield
    }) : () -> ()
    %mul3A_35 = arith.constant 10000 : i32
    %mul3A_36 = arith.muli %arg0, %mul3A_35 : i32
    %add3A_37 = arith.addi %mul3A_36, %mul3A_2 : i32
    %add3A_38 = arith.constant 400 : i32
    %add3A_39 = arith.addi %add3A_37, %add3A_38 : i32
    "tpu.region"() ({
      %run_scoped3A = tpu.sem_alloc : memref<!tpu.dma_semaphore, #tpu.memory_space<semaphore_mem>>
      %dma_start3A = arith.constant 0 : i32
      %dma_start3A_52 = arith.constant 0 : i32
      %dma_start3A_53 = tpu.memref_slice %arg7[%dma_start3A, %dma_start3A_52] : memref<200x128xf32, #tpu.memory_space<vmem>> -> memref<200x128xf32, #tpu.memory_space<vmem>>
      %dma_start3A_54 = arith.constant 0 : i32
      %dma_start3A_55 = tpu.memref_slice %arg5[%add3A_39, %dma_start3A_54] : memref<20000x128xf32, #tpu.memory_space<hbm>> -> memref<200x128xf32, #tpu.memory_space<hbm>>
      %dma_start3A_56 = arith.constant 0 : i32
      %dma_start3A_57 = tpu.memref_slice %arg5[%add3A_39, %dma_start3A_56] : memref<20000x128xf32, #tpu.memory_space<hbm>> -> memref<200x128xf32, #tpu.memory_space<hbm>>
      %dma_start3A_58 = arith.constant 0 : i32
      %dma_start3A_59 = arith.constant 0 : i32
      %dma_start3A_60 = tpu.memref_slice %arg7[%dma_start3A_58, %dma_start3A_59] : memref<200x128xf32, #tpu.memory_space<vmem>> -> memref<200x128xf32, #tpu.memory_space<vmem>>
      tpu.enqueue_dma source(%dma_start3A_60 : memref<200x128xf32, #tpu.memory_space<vmem>>) target(%dma_start3A_57 : memref<200x128xf32, #tpu.memory_space<hbm>>) target_semaphore(%run_scoped3A : memref<!tpu.dma_semaphore, #tpu.memory_space<semaphore_mem>>)
      %dma_wait3A = arith.constant 0 : i32
      %dma_wait3A_61 = arith.constant 0 : i32
      %dma_wait3A_62 = tpu.memref_slice %arg7[%dma_wait3A, %dma_wait3A_61] : memref<200x128xf32, #tpu.memory_space<vmem>> -> memref<200x128xf32, #tpu.memory_space<vmem>>
      %dma_wait3A_63 = arith.constant 0 : i32
      %dma_wait3A_64 = tpu.memref_slice %arg5[%add3A_39, %dma_wait3A_63] : memref<20000x128xf32, #tpu.memory_space<hbm>> -> memref<200x128xf32, #tpu.memory_space<hbm>>
      %dma_wait3A_65 = arith.constant 0 : i32
      %dma_wait3A_66 = tpu.memref_slice %arg5[%add3A_39, %dma_wait3A_65] : memref<20000x128xf32, #tpu.memory_space<hbm>> -> memref<200x128xf32, #tpu.memory_space<hbm>>
      %dma_wait3A_67 = arith.constant 0 : i32
      %dma_wait3A_68 = arith.constant 0 : i32
      %dma_wait3A_69 = tpu.memref_slice %arg7[%dma_wait3A_67, %dma_wait3A_68] : memref<200x128xf32, #tpu.memory_space<vmem>> -> memref<200x128xf32, #tpu.memory_space<vmem>>
      tpu.wait_dma2 semaphore(%run_scoped3A : memref<!tpu.dma_semaphore, #tpu.memory_space<semaphore_mem>>) src(%dma_wait3A_69 : memref<200x128xf32, #tpu.memory_space<vmem>>) dst(%dma_wait3A_66 : memref<200x128xf32, #tpu.memory_space<hbm>>)
      tpu.yield
    }) : () -> ()
    %add3A_40 = arith.constant 600 : i32
    %add3A_41 = arith.addi %mul3A_2, %add3A_40 : i32
    "tpu.region"() ({
      %run_scoped3A = tpu.sem_alloc : memref<!tpu.dma_semaphore, #tpu.memory_space<semaphore_mem>>
      %dma_start3A = arith.constant 0 : i32
      %dma_start3A_52 = arith.constant 0 : i32
      %dma_start3A_53 = tpu.memref_slice %arg7[%dma_start3A, %dma_start3A_52] : memref<200x128xf32, #tpu.memory_space<vmem>> -> memref<24x128xf32, #tpu.memory_space<vmem>>
      %dma_start3A_54 = arith.constant 0 : i32
      %dma_start3A_55 = tpu.memref_slice %arg6[%add3A_41, %dma_start3A_54] : memref<10000x128xf32, #tpu.memory_space<vmem_shared>> -> memref<24x128xf32, #tpu.memory_space<vmem_shared>>
      %dma_start3A_56 = arith.constant 0 : i32
      %dma_start3A_57 = arith.constant 0 : i32
      %dma_start3A_58 = tpu.memref_slice %arg7[%dma_start3A_56, %dma_start3A_57] : memref<200x128xf32, #tpu.memory_space<vmem>> -> memref<24x128xf32, #tpu.memory_space<vmem>>
      %dma_start3A_59 = arith.constant 0 : i32
      %dma_start3A_60 = tpu.memref_slice %arg6[%add3A_41, %dma_start3A_59] : memref<10000x128xf32, #tpu.memory_space<vmem_shared>> -> memref<24x128xf32, #tpu.memory_space<vmem_shared>>
      tpu.enqueue_dma source(%dma_start3A_60 : memref<24x128xf32, #tpu.memory_space<vmem_shared>>) target(%dma_start3A_58 : memref<24x128xf32, #tpu.memory_space<vmem>>) target_semaphore(%run_scoped3A : memref<!tpu.dma_semaphore, #tpu.memory_space<semaphore_mem>>)
      %dma_wait3A = arith.constant 0 : i32
      %dma_wait3A_61 = arith.constant 0 : i32
      %dma_wait3A_62 = tpu.memref_slice %arg7[%dma_wait3A, %dma_wait3A_61] : memref<200x128xf32, #tpu.memory_space<vmem>> -> memref<24x128xf32, #tpu.memory_space<vmem>>
      %dma_wait3A_63 = arith.constant 0 : i32
      %dma_wait3A_64 = tpu.memref_slice %arg6[%add3A_41, %dma_wait3A_63] : memref<10000x128xf32, #tpu.memory_space<vmem_shared>> -> memref<24x128xf32, #tpu.memory_space<vmem_shared>>
      %dma_wait3A_65 = arith.constant 0 : i32
      %dma_wait3A_66 = arith.constant 0 : i32
      %dma_wait3A_67 = tpu.memref_slice %arg7[%dma_wait3A_65, %dma_wait3A_66] : memref<200x128xf32, #tpu.memory_space<vmem>> -> memref<24x128xf32, #tpu.memory_space<vmem>>
      %dma_wait3A_68 = arith.constant 0 : i32
      %dma_wait3A_69 = tpu.memref_slice %arg6[%add3A_41, %dma_wait3A_68] : memref<10000x128xf32, #tpu.memory_space<vmem_shared>> -> memref<24x128xf32, #tpu.memory_space<vmem_shared>>
      tpu.wait_dma2 semaphore(%run_scoped3A : memref<!tpu.dma_semaphore, #tpu.memory_space<semaphore_mem>>) src(%dma_wait3A_69 : memref<24x128xf32, #tpu.memory_space<vmem_shared>>) dst(%dma_wait3A_67 : memref<24x128xf32, #tpu.memory_space<vmem>>)
      tpu.yield
    }) : () -> ()
    %mul3A_42 = arith.constant 10000 : i32
    %mul3A_43 = arith.muli %arg0, %mul3A_42 : i32
    %add3A_44 = arith.addi %mul3A_43, %mul3A_2 : i32
    %add3A_45 = arith.constant 600 : i32
    %add3A_46 = arith.addi %add3A_44, %add3A_45 : i32
    "tpu.region"() ({
      %run_scoped3A = tpu.sem_alloc : memref<!tpu.dma_semaphore, #tpu.memory_space<semaphore_mem>>
      %dma_start3A = arith.constant 0 : i32
      %dma_start3A_52 = arith.constant 0 : i32
      %dma_start3A_53 = tpu.memref_slice %arg7[%dma_start3A, %dma_start3A_52] : memref<200x128xf32, #tpu.memory_space<vmem>> -> memref<24x128xf32, #tpu.memory_space<vmem>>
      %dma_start3A_54 = arith.constant 0 : i32
      %dma_start3A_55 = tpu.memref_slice %arg5[%add3A_46, %dma_start3A_54] : memref<20000x128xf32, #tpu.memory_space<hbm>> -> memref<24x128xf32, #tpu.memory_space<hbm>>
      %dma_start3A_56 = arith.constant 0 : i32
      %dma_start3A_57 = tpu.memref_slice %arg5[%add3A_46, %dma_start3A_56] : memref<20000x128xf32, #tpu.memory_space<hbm>> -> memref<24x128xf32, #tpu.memory_space<hbm>>
      %dma_start3A_58 = arith.constant 0 : i32
      %dma_start3A_59 = arith.constant 0 : i32
      %dma_start3A_60 = tpu.memref_slice %arg7[%dma_start3A_58, %dma_start3A_59] : memref<200x128xf32, #tpu.memory_space<vmem>> -> memref<24x128xf32, #tpu.memory_space<vmem>>
      tpu.enqueue_dma source(%dma_start3A_60 : memref<24x128xf32, #tpu.memory_space<vmem>>) target(%dma_start3A_57 : memref<24x128xf32, #tpu.memory_space<hbm>>) target_semaphore(%run_scoped3A : memref<!tpu.dma_semaphore, #tpu.memory_space<semaphore_mem>>)
      %dma_wait3A = arith.constant 0 : i32
      %dma_wait3A_61 = arith.constant 0 : i32
      %dma_wait3A_62 = tpu.memref_slice %arg7[%dma_wait3A, %dma_wait3A_61] : memref<200x128xf32, #tpu.memory_space<vmem>> -> memref<24x128xf32, #tpu.memory_space<vmem>>
      %dma_wait3A_63 = arith.constant 0 : i32
      %dma_wait3A_64 = tpu.memref_slice %arg5[%add3A_46, %dma_wait3A_63] : memref<20000x128xf32, #tpu.memory_space<hbm>> -> memref<24x128xf32, #tpu.memory_space<hbm>>
      %dma_wait3A_65 = arith.constant 0 : i32
      %dma_wait3A_66 = tpu.memref_slice %arg5[%add3A_46, %dma_wait3A_65] : memref<20000x128xf32, #tpu.memory_space<hbm>> -> memref<24x128xf32, #tpu.memory_space<hbm>>
      %dma_wait3A_67 = arith.constant 0 : i32
      %dma_wait3A_68 = arith.constant 0 : i32
      %dma_wait3A_69 = tpu.memref_slice %arg7[%dma_wait3A_67, %dma_wait3A_68] : memref<200x128xf32, #tpu.memory_space<vmem>> -> memref<24x128xf32, #tpu.memory_space<vmem>>
      tpu.wait_dma2 semaphore(%run_scoped3A : memref<!tpu.dma_semaphore, #tpu.memory_space<semaphore_mem>>) src(%dma_wait3A_69 : memref<24x128xf32, #tpu.memory_space<vmem>>) dst(%dma_wait3A_66 : memref<24x128xf32, #tpu.memory_space<hbm>>)
      tpu.yield
    }) : () -> ()
    %eq3A_47 = arith.constant 15 : i32
    %eq3A_48 = arith.cmpi eq, %arg1, %eq3A_47 : i32
    %convert_element_type3A_49 = arith.extui %eq3A_48 : i1 to i32
    %cond3A_50 = arith.constant 0 : i32
    %cond3A_51 = arith.cmpi ne, %convert_element_type3A_49, %cond3A_50 : i32
    scf.if %cond3A_51 {
      "tpu.region"() ({
        %run_scoped3A = tpu.sem_alloc : memref<!tpu.dma_semaphore, #tpu.memory_space<semaphore_mem>>
        %dma_start3A = arith.constant 0 : i32
        %dma_start3A_56 = arith.constant 0 : i32
        %dma_start3A_57 = tpu.memref_slice %arg7[%dma_start3A, %dma_start3A_56] : memref<200x128xf32, #tpu.memory_space<vmem>> -> memref<16x128xf32, #tpu.memory_space<vmem>>
        %dma_start3A_58 = arith.constant 9984 : i32
        %dma_start3A_59 = arith.constant 0 : i32
        %dma_start3A_60 = tpu.memref_slice %arg6[%dma_start3A_58, %dma_start3A_59] : memref<10000x128xf32, #tpu.memory_space<vmem_shared>> -> memref<16x128xf32, #tpu.memory_space<vmem_shared>>
        %dma_start3A_61 = arith.constant 0 : i32
        %dma_start3A_62 = arith.constant 0 : i32
        %dma_start3A_63 = tpu.memref_slice %arg7[%dma_start3A_61, %dma_start3A_62] : memref<200x128xf32, #tpu.memory_space<vmem>> -> memref<16x128xf32, #tpu.memory_space<vmem>>
        %dma_start3A_64 = arith.constant 9984 : i32
        %dma_start3A_65 = arith.constant 0 : i32
        %dma_start3A_66 = tpu.memref_slice %arg6[%dma_start3A_64, %dma_start3A_65] : memref<10000x128xf32, #tpu.memory_space<vmem_shared>> -> memref<16x128xf32, #tpu.memory_space<vmem_shared>>
        tpu.enqueue_dma source(%dma_start3A_66 : memref<16x128xf32, #tpu.memory_space<vmem_shared>>) target(%dma_start3A_63 : memref<16x128xf32, #tpu.memory_space<vmem>>) target_semaphore(%run_scoped3A : memref<!tpu.dma_semaphore, #tpu.memory_space<semaphore_mem>>)
        %dma_wait3A = arith.constant 0 : i32
        %dma_wait3A_67 = arith.constant 0 : i32
        %dma_wait3A_68 = tpu.memref_slice %arg7[%dma_wait3A, %dma_wait3A_67] : memref<200x128xf32, #tpu.memory_space<vmem>> -> memref<16x128xf32, #tpu.memory_space<vmem>>
        %dma_wait3A_69 = arith.constant 9984 : i32
        %dma_wait3A_70 = arith.constant 0 : i32
        %dma_wait3A_71 = tpu.memref_slice %arg6[%dma_wait3A_69, %dma_wait3A_70] : memref<10000x128xf32, #tpu.memory_space<vmem_shared>> -> memref<16x128xf32, #tpu.memory_space<vmem_shared>>
        %dma_wait3A_72 = arith.constant 0 : i32
        %dma_wait3A_73 = arith.constant 0 : i32
        %dma_wait3A_74 = tpu.memref_slice %arg7[%dma_wait3A_72, %dma_wait3A_73] : memref<200x128xf32, #tpu.memory_space<vmem>> -> memref<16x128xf32, #tpu.memory_space<vmem>>
        %dma_wait3A_75 = arith.constant 9984 : i32
        %dma_wait3A_76 = arith.constant 0 : i32
        %dma_wait3A_77 = tpu.memref_slice %arg6[%dma_wait3A_75, %dma_wait3A_76] : memref<10000x128xf32, #tpu.memory_space<vmem_shared>> -> memref<16x128xf32, #tpu.memory_space<vmem_shared>>
        tpu.wait_dma2 semaphore(%run_scoped3A : memref<!tpu.dma_semaphore, #tpu.memory_space<semaphore_mem>>) src(%dma_wait3A_77 : memref<16x128xf32, #tpu.memory_space<vmem_shared>>) dst(%dma_wait3A_74 : memref<16x128xf32, #tpu.memory_space<vmem>>)
        tpu.yield
      }) : () -> ()
      %mul3A_52 = arith.constant 10000 : i32
      %mul3A_53 = arith.muli %arg0, %mul3A_52 : i32
      %add3A_54 = arith.constant 9984 : i32
      %add3A_55 = arith.addi %mul3A_53, %add3A_54 : i32
      "tpu.region"() ({
        %run_scoped3A = tpu.sem_alloc : memref<!tpu.dma_semaphore, #tpu.memory_space<semaphore_mem>>
        %dma_start3A = arith.constant 0 : i32
        %dma_start3A_56 = arith.constant 0 : i32
        %dma_start3A_57 = tpu.memref_slice %arg7[%dma_start3A, %dma_start3A_56] : memref<200x128xf32, #tpu.memory_space<vmem>> -> memref<16x128xf32, #tpu.memory_space<vmem>>
        %dma_start3A_58 = arith.constant 0 : i32
        %dma_start3A_59 = tpu.memref_slice %arg5[%add3A_55, %dma_start3A_58] : memref<20000x128xf32, #tpu.memory_space<hbm>> -> memref<16x128xf32, #tpu.memory_space<hbm>>
        %dma_start3A_60 = arith.constant 0 : i32
        %dma_start3A_61 = tpu.memref_slice %arg5[%add3A_55, %dma_start3A_60] : memref<20000x128xf32, #tpu.memory_space<hbm>> -> memref<16x128xf32, #tpu.memory_space<hbm>>
        %dma_start3A_62 = arith.constant 0 : i32
        %dma_start3A_63 = arith.constant 0 : i32
        %dma_start3A_64 = tpu.memref_slice %arg7[%dma_start3A_62, %dma_start3A_63] : memref<200x128xf32, #tpu.memory_space<vmem>> -> memref<16x128xf32, #tpu.memory_space<vmem>>
        tpu.enqueue_dma source(%dma_start3A_64 : memref<16x128xf32, #tpu.memory_space<vmem>>) target(%dma_start3A_61 : memref<16x128xf32, #tpu.memory_space<hbm>>) target_semaphore(%run_scoped3A : memref<!tpu.dma_semaphore, #tpu.memory_space<semaphore_mem>>)
        %dma_wait3A = arith.constant 0 : i32
        %dma_wait3A_65 = arith.constant 0 : i32
        %dma_wait3A_66 = tpu.memref_slice %arg7[%dma_wait3A, %dma_wait3A_65] : memref<200x128xf32, #tpu.memory_space<vmem>> -> memref<16x128xf32, #tpu.memory_space<vmem>>
        %dma_wait3A_67 = arith.constant 0 : i32
        %dma_wait3A_68 = tpu.memref_slice %arg5[%add3A_55, %dma_wait3A_67] : memref<20000x128xf32, #tpu.memory_space<hbm>> -> memref<16x128xf32, #tpu.memory_space<hbm>>
        %dma_wait3A_69 = arith.constant 0 : i32
        %dma_wait3A_70 = tpu.memref_slice %arg5[%add3A_55, %dma_wait3A_69] : memref<20000x128xf32, #tpu.memory_space<hbm>> -> memref<16x128xf32, #tpu.memory_space<hbm>>
        %dma_wait3A_71 = arith.constant 0 : i32
        %dma_wait3A_72 = arith.constant 0 : i32
        %dma_wait3A_73 = tpu.memref_slice %arg7[%dma_wait3A_71, %dma_wait3A_72] : memref<200x128xf32, #tpu.memory_space<vmem>> -> memref<16x128xf32, #tpu.memory_space<vmem>>
        tpu.wait_dma2 semaphore(%run_scoped3A : memref<!tpu.dma_semaphore, #tpu.memory_space<semaphore_mem>>) src(%dma_wait3A_73 : memref<16x128xf32, #tpu.memory_space<vmem>>) dst(%dma_wait3A_70 : memref<16x128xf32, #tpu.memory_space<hbm>>)
        tpu.yield
      }) : () -> ()
    } else {
    }
    return
  }
}

#map = affine_map<(d0, d1) -> (0, 0)>
#map1 = affine_map<(d0, d1) -> (0)>
module attributes {stable_mosaic.version = 14 : i64} {
  func.func @gather_kernel(%arg0: i32, %arg1: i32, %arg2: memref<10000x64xf32, #tpu.memory_space<hbm>>, %arg3: memref<10000x64xf32, #tpu.memory_space<hbm>>, %arg4: memref<320000xi32, #tpu.memory_space<hbm>>, %arg5: memref<320000xi32, #tpu.memory_space<hbm>>, %arg6: memref<10000x8xf32, #tpu.memory_space<hbm>>, %arg7: memref<320000x64xf32, #tpu.memory_space<hbm>>, %arg8: memref<320000x64xf32, #tpu.memory_space<hbm>>, %arg9: memref<320000x8xf32, #tpu.memory_space<hbm>>, %arg10: memref<320000x8xf32, #tpu.memory_space<hbm>>, %arg11: memref<384xi32, #tpu.memory_space<vmem>>, %arg12: memref<384xi32, #tpu.memory_space<vmem>>, %arg13: memref<384x64xf32, #tpu.memory_space<vmem>>, %arg14: memref<384x64xf32, #tpu.memory_space<vmem>>, %arg15: memref<384x8xf32, #tpu.memory_space<vmem>>, %arg16: memref<384x8xf32, #tpu.memory_space<vmem>>, %arg17: memref<!tpu.dma_semaphore, #tpu.memory_space<semaphore_mem>>, %arg18: memref<!tpu.dma_semaphore, #tpu.memory_space<semaphore_mem>>, %arg19: memref<!tpu.dma_semaphore, #tpu.memory_space<semaphore_mem>>, %arg20: memref<!tpu.dma_semaphore, #tpu.memory_space<semaphore_mem>>) attributes {dimension_semantics = [#tpu.dimension_semantics<core_parallel>, #tpu.dimension_semantics<subcore_parallel>], iteration_bounds = array<i64: 2, 16>, scalar_prefetch = 0 : i64, scratch_operands = 10 : i64, tpu.core_type = #tpu.core_type<sc_vector_subcore>, window_params = [{transform_indices = #map}, {transform_indices = #map}, {transform_indices = #map1}, {transform_indices = #map1}, {transform_indices = #map}, {transform_indices = #map}, {transform_indices = #map}, {transform_indices = #map}, {transform_indices = #map}]} {
    %mul3A = arith.constant 2 : i32
    %mul3A_0 = arith.muli %arg1, %mul3A : i32
    %add3A = arith.addi %mul3A_0, %arg0 : i32
    %mul3A_1 = arith.constant 78 : i32
    %mul3A_2 = arith.muli %add3A, %mul3A_1 : i32
    %min3A = arith.constant 4 : i32
    %min3A_3 = arith.minsi %add3A, %min3A : i32
    %add3A_4 = arith.addi %mul3A_2, %min3A_3 : i32
    %mul3A_5 = arith.constant 128 : i32
    %mul3A_6 = arith.muli %add3A_4, %mul3A_5 : i32
    %scan3A = arith.constant 0 : i32
    %scan3A_7 = arith.constant 0 : i32
    %scan3A_8 = arith.constant 26 : i32
    %scan3A_9 = arith.addi %scan3A_7, %scan3A_8 : i32
    %scan3A_10 = arith.constant 1 : i32
    scf.for %scan3A_14 = %scan3A_7 to %scan3A_9 step %scan3A_10  : i32 {
      %mul3A_15 = arith.constant 384 : i32
      %mul3A_16 = arith.muli %scan3A_14, %mul3A_15 : i32
      %add3A_17 = arith.addi %mul3A_6, %mul3A_16 : i32
      "tpu.region"() ({
        %run_scoped3A = tpu.sem_alloc : memref<!tpu.dma_semaphore, #tpu.memory_space<semaphore_mem>>
        %dma_start3A_80 = arith.constant 0 : i32
        %dma_start3A_81 = tpu.memref_slice %arg11[%dma_start3A_80] : memref<384xi32, #tpu.memory_space<vmem>> -> memref<384xi32, #tpu.memory_space<vmem>>
        %dma_start3A_82 = tpu.memref_slice %arg4[%add3A_17] : memref<320000xi32, #tpu.memory_space<hbm>> -> memref<384xi32, #tpu.memory_space<hbm>>
        %dma_start3A_83 = arith.constant 0 : i32
        %dma_start3A_84 = tpu.memref_slice %arg11[%dma_start3A_83] : memref<384xi32, #tpu.memory_space<vmem>> -> memref<384xi32, #tpu.memory_space<vmem>>
        %dma_start3A_85 = tpu.memref_slice %arg4[%add3A_17] : memref<320000xi32, #tpu.memory_space<hbm>> -> memref<384xi32, #tpu.memory_space<hbm>>
        tpu.enqueue_dma source(%dma_start3A_85 : memref<384xi32, #tpu.memory_space<hbm>>) target(%dma_start3A_84 : memref<384xi32, #tpu.memory_space<vmem>>) target_semaphore(%run_scoped3A : memref<!tpu.dma_semaphore, #tpu.memory_space<semaphore_mem>>)
        %dma_wait3A_86 = arith.constant 0 : i32
        %dma_wait3A_87 = tpu.memref_slice %arg11[%dma_wait3A_86] : memref<384xi32, #tpu.memory_space<vmem>> -> memref<384xi32, #tpu.memory_space<vmem>>
        %dma_wait3A_88 = tpu.memref_slice %arg4[%add3A_17] : memref<320000xi32, #tpu.memory_space<hbm>> -> memref<384xi32, #tpu.memory_space<hbm>>
        %dma_wait3A_89 = arith.constant 0 : i32
        %dma_wait3A_90 = tpu.memref_slice %arg11[%dma_wait3A_89] : memref<384xi32, #tpu.memory_space<vmem>> -> memref<384xi32, #tpu.memory_space<vmem>>
        %dma_wait3A_91 = tpu.memref_slice %arg4[%add3A_17] : memref<320000xi32, #tpu.memory_space<hbm>> -> memref<384xi32, #tpu.memory_space<hbm>>
        tpu.wait_dma2 semaphore(%run_scoped3A : memref<!tpu.dma_semaphore, #tpu.memory_space<semaphore_mem>>) src(%dma_wait3A_91 : memref<384xi32, #tpu.memory_space<hbm>>) dst(%dma_wait3A_90 : memref<384xi32, #tpu.memory_space<vmem>>)
        tpu.yield
      }) : () -> ()
      "tpu.region"() ({
        %run_scoped3A = tpu.sem_alloc : memref<!tpu.dma_semaphore, #tpu.memory_space<semaphore_mem>>
        %dma_start3A_80 = arith.constant 0 : i32
        %dma_start3A_81 = tpu.memref_slice %arg12[%dma_start3A_80] : memref<384xi32, #tpu.memory_space<vmem>> -> memref<384xi32, #tpu.memory_space<vmem>>
        %dma_start3A_82 = tpu.memref_slice %arg5[%add3A_17] : memref<320000xi32, #tpu.memory_space<hbm>> -> memref<384xi32, #tpu.memory_space<hbm>>
        %dma_start3A_83 = arith.constant 0 : i32
        %dma_start3A_84 = tpu.memref_slice %arg12[%dma_start3A_83] : memref<384xi32, #tpu.memory_space<vmem>> -> memref<384xi32, #tpu.memory_space<vmem>>
        %dma_start3A_85 = tpu.memref_slice %arg5[%add3A_17] : memref<320000xi32, #tpu.memory_space<hbm>> -> memref<384xi32, #tpu.memory_space<hbm>>
        tpu.enqueue_dma source(%dma_start3A_85 : memref<384xi32, #tpu.memory_space<hbm>>) target(%dma_start3A_84 : memref<384xi32, #tpu.memory_space<vmem>>) target_semaphore(%run_scoped3A : memref<!tpu.dma_semaphore, #tpu.memory_space<semaphore_mem>>)
        %dma_wait3A_86 = arith.constant 0 : i32
        %dma_wait3A_87 = tpu.memref_slice %arg12[%dma_wait3A_86] : memref<384xi32, #tpu.memory_space<vmem>> -> memref<384xi32, #tpu.memory_space<vmem>>
        %dma_wait3A_88 = tpu.memref_slice %arg5[%add3A_17] : memref<320000xi32, #tpu.memory_space<hbm>> -> memref<384xi32, #tpu.memory_space<hbm>>
        %dma_wait3A_89 = arith.constant 0 : i32
        %dma_wait3A_90 = tpu.memref_slice %arg12[%dma_wait3A_89] : memref<384xi32, #tpu.memory_space<vmem>> -> memref<384xi32, #tpu.memory_space<vmem>>
        %dma_wait3A_91 = tpu.memref_slice %arg5[%add3A_17] : memref<320000xi32, #tpu.memory_space<hbm>> -> memref<384xi32, #tpu.memory_space<hbm>>
        tpu.wait_dma2 semaphore(%run_scoped3A : memref<!tpu.dma_semaphore, #tpu.memory_space<semaphore_mem>>) src(%dma_wait3A_91 : memref<384xi32, #tpu.memory_space<hbm>>) dst(%dma_wait3A_90 : memref<384xi32, #tpu.memory_space<vmem>>)
        tpu.yield
      }) : () -> ()
      %dma_start3A = arith.constant 0 : i32
      %dma_start3A_18 = arith.constant 0 : i32
      %dma_start3A_19 = tpu.memref_slice %arg13[%dma_start3A, %dma_start3A_18] : memref<384x64xf32, #tpu.memory_space<vmem>> -> memref<384x64xf32, #tpu.memory_space<vmem>>
      %dma_start3A_20 = arith.constant 0 : i32
      %dma_start3A_21 = tpu.memref_slice %arg11[%dma_start3A_20] : memref<384xi32, #tpu.memory_space<vmem>> -> memref<384xi32, #tpu.memory_space<vmem>>
      %dma_start3A_22 = arith.constant 0 : i32
      %dma_start3A_23 = arith.constant 0 : i32
      %dma_start3A_24 = tpu.memref_slice %arg2[%dma_start3A_22, %dma_start3A_23] : memref<10000x64xf32, #tpu.memory_space<hbm>> -> memref<10000x64xf32, #tpu.memory_space<hbm>>
      tpu.enqueue_indirect_dma source(%dma_start3A_24 : memref<10000x64xf32, #tpu.memory_space<hbm>>) target(%dma_start3A_19 : memref<384x64xf32, #tpu.memory_space<vmem>>) offsets(%dma_start3A_21 : memref<384xi32, #tpu.memory_space<vmem>>) semaphore(%arg17 : memref<!tpu.dma_semaphore, #tpu.memory_space<semaphore_mem>>)
      %dma_start3A_25 = arith.constant 0 : i32
      %dma_start3A_26 = arith.constant 0 : i32
      %dma_start3A_27 = tpu.memref_slice %arg14[%dma_start3A_25, %dma_start3A_26] : memref<384x64xf32, #tpu.memory_space<vmem>> -> memref<384x64xf32, #tpu.memory_space<vmem>>
      %dma_start3A_28 = arith.constant 0 : i32
      %dma_start3A_29 = tpu.memref_slice %arg12[%dma_start3A_28] : memref<384xi32, #tpu.memory_space<vmem>> -> memref<384xi32, #tpu.memory_space<vmem>>
      %dma_start3A_30 = arith.constant 0 : i32
      %dma_start3A_31 = arith.constant 0 : i32
      %dma_start3A_32 = tpu.memref_slice %arg3[%dma_start3A_30, %dma_start3A_31] : memref<10000x64xf32, #tpu.memory_space<hbm>> -> memref<10000x64xf32, #tpu.memory_space<hbm>>
      tpu.enqueue_indirect_dma source(%dma_start3A_32 : memref<10000x64xf32, #tpu.memory_space<hbm>>) target(%dma_start3A_27 : memref<384x64xf32, #tpu.memory_space<vmem>>) offsets(%dma_start3A_29 : memref<384xi32, #tpu.memory_space<vmem>>) semaphore(%arg18 : memref<!tpu.dma_semaphore, #tpu.memory_space<semaphore_mem>>)
      %dma_start3A_33 = arith.constant 0 : i32
      %dma_start3A_34 = arith.constant 0 : i32
      %dma_start3A_35 = tpu.memref_slice %arg15[%dma_start3A_33, %dma_start3A_34] : memref<384x8xf32, #tpu.memory_space<vmem>> -> memref<384x8xf32, #tpu.memory_space<vmem>>
      %dma_start3A_36 = arith.constant 0 : i32
      %dma_start3A_37 = tpu.memref_slice %arg11[%dma_start3A_36] : memref<384xi32, #tpu.memory_space<vmem>> -> memref<384xi32, #tpu.memory_space<vmem>>
      %dma_start3A_38 = arith.constant 0 : i32
      %dma_start3A_39 = arith.constant 0 : i32
      %dma_start3A_40 = tpu.memref_slice %arg6[%dma_start3A_38, %dma_start3A_39] : memref<10000x8xf32, #tpu.memory_space<hbm>> -> memref<10000x8xf32, #tpu.memory_space<hbm>>
      tpu.enqueue_indirect_dma source(%dma_start3A_40 : memref<10000x8xf32, #tpu.memory_space<hbm>>) target(%dma_start3A_35 : memref<384x8xf32, #tpu.memory_space<vmem>>) offsets(%dma_start3A_37 : memref<384xi32, #tpu.memory_space<vmem>>) semaphore(%arg19 : memref<!tpu.dma_semaphore, #tpu.memory_space<semaphore_mem>>)
      %dma_start3A_41 = arith.constant 0 : i32
      %dma_start3A_42 = arith.constant 0 : i32
      %dma_start3A_43 = tpu.memref_slice %arg16[%dma_start3A_41, %dma_start3A_42] : memref<384x8xf32, #tpu.memory_space<vmem>> -> memref<384x8xf32, #tpu.memory_space<vmem>>
      %dma_start3A_44 = arith.constant 0 : i32
      %dma_start3A_45 = tpu.memref_slice %arg12[%dma_start3A_44] : memref<384xi32, #tpu.memory_space<vmem>> -> memref<384xi32, #tpu.memory_space<vmem>>
      %dma_start3A_46 = arith.constant 0 : i32
      %dma_start3A_47 = arith.constant 0 : i32
      %dma_start3A_48 = tpu.memref_slice %arg6[%dma_start3A_46, %dma_start3A_47] : memref<10000x8xf32, #tpu.memory_space<hbm>> -> memref<10000x8xf32, #tpu.memory_space<hbm>>
      tpu.enqueue_indirect_dma source(%dma_start3A_48 : memref<10000x8xf32, #tpu.memory_space<hbm>>) target(%dma_start3A_43 : memref<384x8xf32, #tpu.memory_space<vmem>>) offsets(%dma_start3A_45 : memref<384xi32, #tpu.memory_space<vmem>>) semaphore(%arg20 : memref<!tpu.dma_semaphore, #tpu.memory_space<semaphore_mem>>)
      %dma_wait3A = arith.constant 0 : i32
      %dma_wait3A_49 = arith.constant 0 : i32
      %dma_wait3A_50 = tpu.memref_slice %arg13[%dma_wait3A, %dma_wait3A_49] : memref<384x64xf32, #tpu.memory_space<vmem>> -> memref<384x64xf32, #tpu.memory_space<vmem>>
      %dma_wait3A_51 = arith.constant 0 : i32
      %dma_wait3A_52 = tpu.memref_slice %arg11[%dma_wait3A_51] : memref<384xi32, #tpu.memory_space<vmem>> -> memref<384xi32, #tpu.memory_space<vmem>>
      %dma_wait3A_53 = arith.constant 0 : i32
      %dma_wait3A_54 = arith.constant 0 : i32
      %dma_wait3A_55 = tpu.memref_slice %arg2[%dma_wait3A_53, %dma_wait3A_54] : memref<10000x64xf32, #tpu.memory_space<hbm>> -> memref<10000x64xf32, #tpu.memory_space<hbm>>
      tpu.wait_indirect_dma semaphore(%arg17 : memref<!tpu.dma_semaphore, #tpu.memory_space<semaphore_mem>>) src(%dma_wait3A_55 : memref<10000x64xf32, #tpu.memory_space<hbm>>) dst(%dma_wait3A_50 : memref<384x64xf32, #tpu.memory_space<vmem>>)
      "tpu.region"() ({
        %run_scoped3A = tpu.sem_alloc : memref<!tpu.dma_semaphore, #tpu.memory_space<semaphore_mem>>
        %dma_start3A_80 = arith.constant 0 : i32
        %dma_start3A_81 = arith.constant 0 : i32
        %dma_start3A_82 = tpu.memref_slice %arg13[%dma_start3A_80, %dma_start3A_81] : memref<384x64xf32, #tpu.memory_space<vmem>> -> memref<384x64xf32, #tpu.memory_space<vmem>>
        %dma_start3A_83 = arith.constant 0 : i32
        %dma_start3A_84 = tpu.memref_slice %arg7[%add3A_17, %dma_start3A_83] : memref<320000x64xf32, #tpu.memory_space<hbm>> -> memref<384x64xf32, #tpu.memory_space<hbm>>
        %dma_start3A_85 = arith.constant 0 : i32
        %dma_start3A_86 = tpu.memref_slice %arg7[%add3A_17, %dma_start3A_85] : memref<320000x64xf32, #tpu.memory_space<hbm>> -> memref<384x64xf32, #tpu.memory_space<hbm>>
        %dma_start3A_87 = arith.constant 0 : i32
        %dma_start3A_88 = arith.constant 0 : i32
        %dma_start3A_89 = tpu.memref_slice %arg13[%dma_start3A_87, %dma_start3A_88] : memref<384x64xf32, #tpu.memory_space<vmem>> -> memref<384x64xf32, #tpu.memory_space<vmem>>
        tpu.enqueue_dma source(%dma_start3A_89 : memref<384x64xf32, #tpu.memory_space<vmem>>) target(%dma_start3A_86 : memref<384x64xf32, #tpu.memory_space<hbm>>) target_semaphore(%run_scoped3A : memref<!tpu.dma_semaphore, #tpu.memory_space<semaphore_mem>>)
        %dma_wait3A_90 = arith.constant 0 : i32
        %dma_wait3A_91 = arith.constant 0 : i32
        %dma_wait3A_92 = tpu.memref_slice %arg13[%dma_wait3A_90, %dma_wait3A_91] : memref<384x64xf32, #tpu.memory_space<vmem>> -> memref<384x64xf32, #tpu.memory_space<vmem>>
        %dma_wait3A_93 = arith.constant 0 : i32
        %dma_wait3A_94 = tpu.memref_slice %arg7[%add3A_17, %dma_wait3A_93] : memref<320000x64xf32, #tpu.memory_space<hbm>> -> memref<384x64xf32, #tpu.memory_space<hbm>>
        %dma_wait3A_95 = arith.constant 0 : i32
        %dma_wait3A_96 = tpu.memref_slice %arg7[%add3A_17, %dma_wait3A_95] : memref<320000x64xf32, #tpu.memory_space<hbm>> -> memref<384x64xf32, #tpu.memory_space<hbm>>
        %dma_wait3A_97 = arith.constant 0 : i32
        %dma_wait3A_98 = arith.constant 0 : i32
        %dma_wait3A_99 = tpu.memref_slice %arg13[%dma_wait3A_97, %dma_wait3A_98] : memref<384x64xf32, #tpu.memory_space<vmem>> -> memref<384x64xf32, #tpu.memory_space<vmem>>
        tpu.wait_dma2 semaphore(%run_scoped3A : memref<!tpu.dma_semaphore, #tpu.memory_space<semaphore_mem>>) src(%dma_wait3A_99 : memref<384x64xf32, #tpu.memory_space<vmem>>) dst(%dma_wait3A_96 : memref<384x64xf32, #tpu.memory_space<hbm>>)
        tpu.yield
      }) : () -> ()
      %dma_wait3A_56 = arith.constant 0 : i32
      %dma_wait3A_57 = arith.constant 0 : i32
      %dma_wait3A_58 = tpu.memref_slice %arg14[%dma_wait3A_56, %dma_wait3A_57] : memref<384x64xf32, #tpu.memory_space<vmem>> -> memref<384x64xf32, #tpu.memory_space<vmem>>
      %dma_wait3A_59 = arith.constant 0 : i32
      %dma_wait3A_60 = tpu.memref_slice %arg12[%dma_wait3A_59] : memref<384xi32, #tpu.memory_space<vmem>> -> memref<384xi32, #tpu.memory_space<vmem>>
      %dma_wait3A_61 = arith.constant 0 : i32
      %dma_wait3A_62 = arith.constant 0 : i32
      %dma_wait3A_63 = tpu.memref_slice %arg3[%dma_wait3A_61, %dma_wait3A_62] : memref<10000x64xf32, #tpu.memory_space<hbm>> -> memref<10000x64xf32, #tpu.memory_space<hbm>>
      tpu.wait_indirect_dma semaphore(%arg18 : memref<!tpu.dma_semaphore, #tpu.memory_space<semaphore_mem>>) src(%dma_wait3A_63 : memref<10000x64xf32, #tpu.memory_space<hbm>>) dst(%dma_wait3A_58 : memref<384x64xf32, #tpu.memory_space<vmem>>)
      "tpu.region"() ({
        %run_scoped3A = tpu.sem_alloc : memref<!tpu.dma_semaphore, #tpu.memory_space<semaphore_mem>>
        %dma_start3A_80 = arith.constant 0 : i32
        %dma_start3A_81 = arith.constant 0 : i32
        %dma_start3A_82 = tpu.memref_slice %arg14[%dma_start3A_80, %dma_start3A_81] : memref<384x64xf32, #tpu.memory_space<vmem>> -> memref<384x64xf32, #tpu.memory_space<vmem>>
        %dma_start3A_83 = arith.constant 0 : i32
        %dma_start3A_84 = tpu.memref_slice %arg8[%add3A_17, %dma_start3A_83] : memref<320000x64xf32, #tpu.memory_space<hbm>> -> memref<384x64xf32, #tpu.memory_space<hbm>>
        %dma_start3A_85 = arith.constant 0 : i32
        %dma_start3A_86 = tpu.memref_slice %arg8[%add3A_17, %dma_start3A_85] : memref<320000x64xf32, #tpu.memory_space<hbm>> -> memref<384x64xf32, #tpu.memory_space<hbm>>
        %dma_start3A_87 = arith.constant 0 : i32
        %dma_start3A_88 = arith.constant 0 : i32
        %dma_start3A_89 = tpu.memref_slice %arg14[%dma_start3A_87, %dma_start3A_88] : memref<384x64xf32, #tpu.memory_space<vmem>> -> memref<384x64xf32, #tpu.memory_space<vmem>>
        tpu.enqueue_dma source(%dma_start3A_89 : memref<384x64xf32, #tpu.memory_space<vmem>>) target(%dma_start3A_86 : memref<384x64xf32, #tpu.memory_space<hbm>>) target_semaphore(%run_scoped3A : memref<!tpu.dma_semaphore, #tpu.memory_space<semaphore_mem>>)
        %dma_wait3A_90 = arith.constant 0 : i32
        %dma_wait3A_91 = arith.constant 0 : i32
        %dma_wait3A_92 = tpu.memref_slice %arg14[%dma_wait3A_90, %dma_wait3A_91] : memref<384x64xf32, #tpu.memory_space<vmem>> -> memref<384x64xf32, #tpu.memory_space<vmem>>
        %dma_wait3A_93 = arith.constant 0 : i32
        %dma_wait3A_94 = tpu.memref_slice %arg8[%add3A_17, %dma_wait3A_93] : memref<320000x64xf32, #tpu.memory_space<hbm>> -> memref<384x64xf32, #tpu.memory_space<hbm>>
        %dma_wait3A_95 = arith.constant 0 : i32
        %dma_wait3A_96 = tpu.memref_slice %arg8[%add3A_17, %dma_wait3A_95] : memref<320000x64xf32, #tpu.memory_space<hbm>> -> memref<384x64xf32, #tpu.memory_space<hbm>>
        %dma_wait3A_97 = arith.constant 0 : i32
        %dma_wait3A_98 = arith.constant 0 : i32
        %dma_wait3A_99 = tpu.memref_slice %arg14[%dma_wait3A_97, %dma_wait3A_98] : memref<384x64xf32, #tpu.memory_space<vmem>> -> memref<384x64xf32, #tpu.memory_space<vmem>>
        tpu.wait_dma2 semaphore(%run_scoped3A : memref<!tpu.dma_semaphore, #tpu.memory_space<semaphore_mem>>) src(%dma_wait3A_99 : memref<384x64xf32, #tpu.memory_space<vmem>>) dst(%dma_wait3A_96 : memref<384x64xf32, #tpu.memory_space<hbm>>)
        tpu.yield
      }) : () -> ()
      %dma_wait3A_64 = arith.constant 0 : i32
      %dma_wait3A_65 = arith.constant 0 : i32
      %dma_wait3A_66 = tpu.memref_slice %arg15[%dma_wait3A_64, %dma_wait3A_65] : memref<384x8xf32, #tpu.memory_space<vmem>> -> memref<384x8xf32, #tpu.memory_space<vmem>>
      %dma_wait3A_67 = arith.constant 0 : i32
      %dma_wait3A_68 = tpu.memref_slice %arg11[%dma_wait3A_67] : memref<384xi32, #tpu.memory_space<vmem>> -> memref<384xi32, #tpu.memory_space<vmem>>
      %dma_wait3A_69 = arith.constant 0 : i32
      %dma_wait3A_70 = arith.constant 0 : i32
      %dma_wait3A_71 = tpu.memref_slice %arg6[%dma_wait3A_69, %dma_wait3A_70] : memref<10000x8xf32, #tpu.memory_space<hbm>> -> memref<10000x8xf32, #tpu.memory_space<hbm>>
      tpu.wait_indirect_dma semaphore(%arg19 : memref<!tpu.dma_semaphore, #tpu.memory_space<semaphore_mem>>) src(%dma_wait3A_71 : memref<10000x8xf32, #tpu.memory_space<hbm>>) dst(%dma_wait3A_66 : memref<384x8xf32, #tpu.memory_space<vmem>>)
      "tpu.region"() ({
        %run_scoped3A = tpu.sem_alloc : memref<!tpu.dma_semaphore, #tpu.memory_space<semaphore_mem>>
        %dma_start3A_80 = arith.constant 0 : i32
        %dma_start3A_81 = arith.constant 0 : i32
        %dma_start3A_82 = tpu.memref_slice %arg15[%dma_start3A_80, %dma_start3A_81] : memref<384x8xf32, #tpu.memory_space<vmem>> -> memref<384x8xf32, #tpu.memory_space<vmem>>
        %dma_start3A_83 = arith.constant 0 : i32
        %dma_start3A_84 = tpu.memref_slice %arg9[%add3A_17, %dma_start3A_83] : memref<320000x8xf32, #tpu.memory_space<hbm>> -> memref<384x8xf32, #tpu.memory_space<hbm>>
        %dma_start3A_85 = arith.constant 0 : i32
        %dma_start3A_86 = tpu.memref_slice %arg9[%add3A_17, %dma_start3A_85] : memref<320000x8xf32, #tpu.memory_space<hbm>> -> memref<384x8xf32, #tpu.memory_space<hbm>>
        %dma_start3A_87 = arith.constant 0 : i32
        %dma_start3A_88 = arith.constant 0 : i32
        %dma_start3A_89 = tpu.memref_slice %arg15[%dma_start3A_87, %dma_start3A_88] : memref<384x8xf32, #tpu.memory_space<vmem>> -> memref<384x8xf32, #tpu.memory_space<vmem>>
        tpu.enqueue_dma source(%dma_start3A_89 : memref<384x8xf32, #tpu.memory_space<vmem>>) target(%dma_start3A_86 : memref<384x8xf32, #tpu.memory_space<hbm>>) target_semaphore(%run_scoped3A : memref<!tpu.dma_semaphore, #tpu.memory_space<semaphore_mem>>)
        %dma_wait3A_90 = arith.constant 0 : i32
        %dma_wait3A_91 = arith.constant 0 : i32
        %dma_wait3A_92 = tpu.memref_slice %arg15[%dma_wait3A_90, %dma_wait3A_91] : memref<384x8xf32, #tpu.memory_space<vmem>> -> memref<384x8xf32, #tpu.memory_space<vmem>>
        %dma_wait3A_93 = arith.constant 0 : i32
        %dma_wait3A_94 = tpu.memref_slice %arg9[%add3A_17, %dma_wait3A_93] : memref<320000x8xf32, #tpu.memory_space<hbm>> -> memref<384x8xf32, #tpu.memory_space<hbm>>
        %dma_wait3A_95 = arith.constant 0 : i32
        %dma_wait3A_96 = tpu.memref_slice %arg9[%add3A_17, %dma_wait3A_95] : memref<320000x8xf32, #tpu.memory_space<hbm>> -> memref<384x8xf32, #tpu.memory_space<hbm>>
        %dma_wait3A_97 = arith.constant 0 : i32
        %dma_wait3A_98 = arith.constant 0 : i32
        %dma_wait3A_99 = tpu.memref_slice %arg15[%dma_wait3A_97, %dma_wait3A_98] : memref<384x8xf32, #tpu.memory_space<vmem>> -> memref<384x8xf32, #tpu.memory_space<vmem>>
        tpu.wait_dma2 semaphore(%run_scoped3A : memref<!tpu.dma_semaphore, #tpu.memory_space<semaphore_mem>>) src(%dma_wait3A_99 : memref<384x8xf32, #tpu.memory_space<vmem>>) dst(%dma_wait3A_96 : memref<384x8xf32, #tpu.memory_space<hbm>>)
        tpu.yield
      }) : () -> ()
      %dma_wait3A_72 = arith.constant 0 : i32
      %dma_wait3A_73 = arith.constant 0 : i32
      %dma_wait3A_74 = tpu.memref_slice %arg16[%dma_wait3A_72, %dma_wait3A_73] : memref<384x8xf32, #tpu.memory_space<vmem>> -> memref<384x8xf32, #tpu.memory_space<vmem>>
      %dma_wait3A_75 = arith.constant 0 : i32
      %dma_wait3A_76 = tpu.memref_slice %arg12[%dma_wait3A_75] : memref<384xi32, #tpu.memory_space<vmem>> -> memref<384xi32, #tpu.memory_space<vmem>>
      %dma_wait3A_77 = arith.constant 0 : i32
      %dma_wait3A_78 = arith.constant 0 : i32
      %dma_wait3A_79 = tpu.memref_slice %arg6[%dma_wait3A_77, %dma_wait3A_78] : memref<10000x8xf32, #tpu.memory_space<hbm>> -> memref<10000x8xf32, #tpu.memory_space<hbm>>
      tpu.wait_indirect_dma semaphore(%arg20 : memref<!tpu.dma_semaphore, #tpu.memory_space<semaphore_mem>>) src(%dma_wait3A_79 : memref<10000x8xf32, #tpu.memory_space<hbm>>) dst(%dma_wait3A_74 : memref<384x8xf32, #tpu.memory_space<vmem>>)
      "tpu.region"() ({
        %run_scoped3A = tpu.sem_alloc : memref<!tpu.dma_semaphore, #tpu.memory_space<semaphore_mem>>
        %dma_start3A_80 = arith.constant 0 : i32
        %dma_start3A_81 = arith.constant 0 : i32
        %dma_start3A_82 = tpu.memref_slice %arg16[%dma_start3A_80, %dma_start3A_81] : memref<384x8xf32, #tpu.memory_space<vmem>> -> memref<384x8xf32, #tpu.memory_space<vmem>>
        %dma_start3A_83 = arith.constant 0 : i32
        %dma_start3A_84 = tpu.memref_slice %arg10[%add3A_17, %dma_start3A_83] : memref<320000x8xf32, #tpu.memory_space<hbm>> -> memref<384x8xf32, #tpu.memory_space<hbm>>
        %dma_start3A_85 = arith.constant 0 : i32
        %dma_start3A_86 = tpu.memref_slice %arg10[%add3A_17, %dma_start3A_85] : memref<320000x8xf32, #tpu.memory_space<hbm>> -> memref<384x8xf32, #tpu.memory_space<hbm>>
        %dma_start3A_87 = arith.constant 0 : i32
        %dma_start3A_88 = arith.constant 0 : i32
        %dma_start3A_89 = tpu.memref_slice %arg16[%dma_start3A_87, %dma_start3A_88] : memref<384x8xf32, #tpu.memory_space<vmem>> -> memref<384x8xf32, #tpu.memory_space<vmem>>
        tpu.enqueue_dma source(%dma_start3A_89 : memref<384x8xf32, #tpu.memory_space<vmem>>) target(%dma_start3A_86 : memref<384x8xf32, #tpu.memory_space<hbm>>) target_semaphore(%run_scoped3A : memref<!tpu.dma_semaphore, #tpu.memory_space<semaphore_mem>>)
        %dma_wait3A_90 = arith.constant 0 : i32
        %dma_wait3A_91 = arith.constant 0 : i32
        %dma_wait3A_92 = tpu.memref_slice %arg16[%dma_wait3A_90, %dma_wait3A_91] : memref<384x8xf32, #tpu.memory_space<vmem>> -> memref<384x8xf32, #tpu.memory_space<vmem>>
        %dma_wait3A_93 = arith.constant 0 : i32
        %dma_wait3A_94 = tpu.memref_slice %arg10[%add3A_17, %dma_wait3A_93] : memref<320000x8xf32, #tpu.memory_space<hbm>> -> memref<384x8xf32, #tpu.memory_space<hbm>>
        %dma_wait3A_95 = arith.constant 0 : i32
        %dma_wait3A_96 = tpu.memref_slice %arg10[%add3A_17, %dma_wait3A_95] : memref<320000x8xf32, #tpu.memory_space<hbm>> -> memref<384x8xf32, #tpu.memory_space<hbm>>
        %dma_wait3A_97 = arith.constant 0 : i32
        %dma_wait3A_98 = arith.constant 0 : i32
        %dma_wait3A_99 = tpu.memref_slice %arg16[%dma_wait3A_97, %dma_wait3A_98] : memref<384x8xf32, #tpu.memory_space<vmem>> -> memref<384x8xf32, #tpu.memory_space<vmem>>
        tpu.wait_dma2 semaphore(%run_scoped3A : memref<!tpu.dma_semaphore, #tpu.memory_space<semaphore_mem>>) src(%dma_wait3A_99 : memref<384x8xf32, #tpu.memory_space<vmem>>) dst(%dma_wait3A_96 : memref<384x8xf32, #tpu.memory_space<hbm>>)
        tpu.yield
      }) : () -> ()
    }
    %scan3A_11 = arith.constant 26 : i32
    %lt3A = arith.constant 4 : i32
    %lt3A_12 = arith.cmpi slt, %add3A, %lt3A : i32
    %convert_element_type3A = arith.extui %lt3A_12 : i1 to i32
    %cond3A = arith.constant 0 : i32
    %cond3A_13 = arith.cmpi ne, %convert_element_type3A, %cond3A : i32
    scf.if %cond3A_13 {
      %add3A_14 = arith.constant 9984 : i32
      %add3A_15 = arith.addi %mul3A_6, %add3A_14 : i32
      "tpu.region"() ({
        %run_scoped3A = tpu.sem_alloc : memref<!tpu.dma_semaphore, #tpu.memory_space<semaphore_mem>>
        %dma_start3A_78 = arith.constant 0 : i32
        %dma_start3A_79 = tpu.memref_slice %arg11[%dma_start3A_78] : memref<384xi32, #tpu.memory_space<vmem>> -> memref<128xi32, #tpu.memory_space<vmem>>
        %dma_start3A_80 = tpu.memref_slice %arg4[%add3A_15] : memref<320000xi32, #tpu.memory_space<hbm>> -> memref<128xi32, #tpu.memory_space<hbm>>
        %dma_start3A_81 = arith.constant 0 : i32
        %dma_start3A_82 = tpu.memref_slice %arg11[%dma_start3A_81] : memref<384xi32, #tpu.memory_space<vmem>> -> memref<128xi32, #tpu.memory_space<vmem>>
        %dma_start3A_83 = tpu.memref_slice %arg4[%add3A_15] : memref<320000xi32, #tpu.memory_space<hbm>> -> memref<128xi32, #tpu.memory_space<hbm>>
        tpu.enqueue_dma source(%dma_start3A_83 : memref<128xi32, #tpu.memory_space<hbm>>) target(%dma_start3A_82 : memref<128xi32, #tpu.memory_space<vmem>>) target_semaphore(%run_scoped3A : memref<!tpu.dma_semaphore, #tpu.memory_space<semaphore_mem>>)
        %dma_wait3A_84 = arith.constant 0 : i32
        %dma_wait3A_85 = tpu.memref_slice %arg11[%dma_wait3A_84] : memref<384xi32, #tpu.memory_space<vmem>> -> memref<128xi32, #tpu.memory_space<vmem>>
        %dma_wait3A_86 = tpu.memref_slice %arg4[%add3A_15] : memref<320000xi32, #tpu.memory_space<hbm>> -> memref<128xi32, #tpu.memory_space<hbm>>
        %dma_wait3A_87 = arith.constant 0 : i32
        %dma_wait3A_88 = tpu.memref_slice %arg11[%dma_wait3A_87] : memref<384xi32, #tpu.memory_space<vmem>> -> memref<128xi32, #tpu.memory_space<vmem>>
        %dma_wait3A_89 = tpu.memref_slice %arg4[%add3A_15] : memref<320000xi32, #tpu.memory_space<hbm>> -> memref<128xi32, #tpu.memory_space<hbm>>
        tpu.wait_dma2 semaphore(%run_scoped3A : memref<!tpu.dma_semaphore, #tpu.memory_space<semaphore_mem>>) src(%dma_wait3A_89 : memref<128xi32, #tpu.memory_space<hbm>>) dst(%dma_wait3A_88 : memref<128xi32, #tpu.memory_space<vmem>>)
        tpu.yield
      }) : () -> ()
      "tpu.region"() ({
        %run_scoped3A = tpu.sem_alloc : memref<!tpu.dma_semaphore, #tpu.memory_space<semaphore_mem>>
        %dma_start3A_78 = arith.constant 0 : i32
        %dma_start3A_79 = tpu.memref_slice %arg12[%dma_start3A_78] : memref<384xi32, #tpu.memory_space<vmem>> -> memref<128xi32, #tpu.memory_space<vmem>>
        %dma_start3A_80 = tpu.memref_slice %arg5[%add3A_15] : memref<320000xi32, #tpu.memory_space<hbm>> -> memref<128xi32, #tpu.memory_space<hbm>>
        %dma_start3A_81 = arith.constant 0 : i32
        %dma_start3A_82 = tpu.memref_slice %arg12[%dma_start3A_81] : memref<384xi32, #tpu.memory_space<vmem>> -> memref<128xi32, #tpu.memory_space<vmem>>
        %dma_start3A_83 = tpu.memref_slice %arg5[%add3A_15] : memref<320000xi32, #tpu.memory_space<hbm>> -> memref<128xi32, #tpu.memory_space<hbm>>
        tpu.enqueue_dma source(%dma_start3A_83 : memref<128xi32, #tpu.memory_space<hbm>>) target(%dma_start3A_82 : memref<128xi32, #tpu.memory_space<vmem>>) target_semaphore(%run_scoped3A : memref<!tpu.dma_semaphore, #tpu.memory_space<semaphore_mem>>)
        %dma_wait3A_84 = arith.constant 0 : i32
        %dma_wait3A_85 = tpu.memref_slice %arg12[%dma_wait3A_84] : memref<384xi32, #tpu.memory_space<vmem>> -> memref<128xi32, #tpu.memory_space<vmem>>
        %dma_wait3A_86 = tpu.memref_slice %arg5[%add3A_15] : memref<320000xi32, #tpu.memory_space<hbm>> -> memref<128xi32, #tpu.memory_space<hbm>>
        %dma_wait3A_87 = arith.constant 0 : i32
        %dma_wait3A_88 = tpu.memref_slice %arg12[%dma_wait3A_87] : memref<384xi32, #tpu.memory_space<vmem>> -> memref<128xi32, #tpu.memory_space<vmem>>
        %dma_wait3A_89 = tpu.memref_slice %arg5[%add3A_15] : memref<320000xi32, #tpu.memory_space<hbm>> -> memref<128xi32, #tpu.memory_space<hbm>>
        tpu.wait_dma2 semaphore(%run_scoped3A : memref<!tpu.dma_semaphore, #tpu.memory_space<semaphore_mem>>) src(%dma_wait3A_89 : memref<128xi32, #tpu.memory_space<hbm>>) dst(%dma_wait3A_88 : memref<128xi32, #tpu.memory_space<vmem>>)
        tpu.yield
      }) : () -> ()
      %dma_start3A = arith.constant 0 : i32
      %dma_start3A_16 = arith.constant 0 : i32
      %dma_start3A_17 = tpu.memref_slice %arg13[%dma_start3A, %dma_start3A_16] : memref<384x64xf32, #tpu.memory_space<vmem>> -> memref<128x64xf32, #tpu.memory_space<vmem>>
      %dma_start3A_18 = arith.constant 0 : i32
      %dma_start3A_19 = tpu.memref_slice %arg11[%dma_start3A_18] : memref<384xi32, #tpu.memory_space<vmem>> -> memref<128xi32, #tpu.memory_space<vmem>>
      %dma_start3A_20 = arith.constant 0 : i32
      %dma_start3A_21 = arith.constant 0 : i32
      %dma_start3A_22 = tpu.memref_slice %arg2[%dma_start3A_20, %dma_start3A_21] : memref<10000x64xf32, #tpu.memory_space<hbm>> -> memref<10000x64xf32, #tpu.memory_space<hbm>>
      tpu.enqueue_indirect_dma source(%dma_start3A_22 : memref<10000x64xf32, #tpu.memory_space<hbm>>) target(%dma_start3A_17 : memref<128x64xf32, #tpu.memory_space<vmem>>) offsets(%dma_start3A_19 : memref<128xi32, #tpu.memory_space<vmem>>) semaphore(%arg17 : memref<!tpu.dma_semaphore, #tpu.memory_space<semaphore_mem>>)
      %dma_start3A_23 = arith.constant 0 : i32
      %dma_start3A_24 = arith.constant 0 : i32
      %dma_start3A_25 = tpu.memref_slice %arg14[%dma_start3A_23, %dma_start3A_24] : memref<384x64xf32, #tpu.memory_space<vmem>> -> memref<128x64xf32, #tpu.memory_space<vmem>>
      %dma_start3A_26 = arith.constant 0 : i32
      %dma_start3A_27 = tpu.memref_slice %arg12[%dma_start3A_26] : memref<384xi32, #tpu.memory_space<vmem>> -> memref<128xi32, #tpu.memory_space<vmem>>
      %dma_start3A_28 = arith.constant 0 : i32
      %dma_start3A_29 = arith.constant 0 : i32
      %dma_start3A_30 = tpu.memref_slice %arg3[%dma_start3A_28, %dma_start3A_29] : memref<10000x64xf32, #tpu.memory_space<hbm>> -> memref<10000x64xf32, #tpu.memory_space<hbm>>
      tpu.enqueue_indirect_dma source(%dma_start3A_30 : memref<10000x64xf32, #tpu.memory_space<hbm>>) target(%dma_start3A_25 : memref<128x64xf32, #tpu.memory_space<vmem>>) offsets(%dma_start3A_27 : memref<128xi32, #tpu.memory_space<vmem>>) semaphore(%arg18 : memref<!tpu.dma_semaphore, #tpu.memory_space<semaphore_mem>>)
      %dma_start3A_31 = arith.constant 0 : i32
      %dma_start3A_32 = arith.constant 0 : i32
      %dma_start3A_33 = tpu.memref_slice %arg15[%dma_start3A_31, %dma_start3A_32] : memref<384x8xf32, #tpu.memory_space<vmem>> -> memref<128x8xf32, #tpu.memory_space<vmem>>
      %dma_start3A_34 = arith.constant 0 : i32
      %dma_start3A_35 = tpu.memref_slice %arg11[%dma_start3A_34] : memref<384xi32, #tpu.memory_space<vmem>> -> memref<128xi32, #tpu.memory_space<vmem>>
      %dma_start3A_36 = arith.constant 0 : i32
      %dma_start3A_37 = arith.constant 0 : i32
      %dma_start3A_38 = tpu.memref_slice %arg6[%dma_start3A_36, %dma_start3A_37] : memref<10000x8xf32, #tpu.memory_space<hbm>> -> memref<10000x8xf32, #tpu.memory_space<hbm>>
      tpu.enqueue_indirect_dma source(%dma_start3A_38 : memref<10000x8xf32, #tpu.memory_space<hbm>>) target(%dma_start3A_33 : memref<128x8xf32, #tpu.memory_space<vmem>>) offsets(%dma_start3A_35 : memref<128xi32, #tpu.memory_space<vmem>>) semaphore(%arg19 : memref<!tpu.dma_semaphore, #tpu.memory_space<semaphore_mem>>)
      %dma_start3A_39 = arith.constant 0 : i32
      %dma_start3A_40 = arith.constant 0 : i32
      %dma_start3A_41 = tpu.memref_slice %arg16[%dma_start3A_39, %dma_start3A_40] : memref<384x8xf32, #tpu.memory_space<vmem>> -> memref<128x8xf32, #tpu.memory_space<vmem>>
      %dma_start3A_42 = arith.constant 0 : i32
      %dma_start3A_43 = tpu.memref_slice %arg12[%dma_start3A_42] : memref<384xi32, #tpu.memory_space<vmem>> -> memref<128xi32, #tpu.memory_space<vmem>>
      %dma_start3A_44 = arith.constant 0 : i32
      %dma_start3A_45 = arith.constant 0 : i32
      %dma_start3A_46 = tpu.memref_slice %arg6[%dma_start3A_44, %dma_start3A_45] : memref<10000x8xf32, #tpu.memory_space<hbm>> -> memref<10000x8xf32, #tpu.memory_space<hbm>>
      tpu.enqueue_indirect_dma source(%dma_start3A_46 : memref<10000x8xf32, #tpu.memory_space<hbm>>) target(%dma_start3A_41 : memref<128x8xf32, #tpu.memory_space<vmem>>) offsets(%dma_start3A_43 : memref<128xi32, #tpu.memory_space<vmem>>) semaphore(%arg20 : memref<!tpu.dma_semaphore, #tpu.memory_space<semaphore_mem>>)
      %dma_wait3A = arith.constant 0 : i32
      %dma_wait3A_47 = arith.constant 0 : i32
      %dma_wait3A_48 = tpu.memref_slice %arg13[%dma_wait3A, %dma_wait3A_47] : memref<384x64xf32, #tpu.memory_space<vmem>> -> memref<128x64xf32, #tpu.memory_space<vmem>>
      %dma_wait3A_49 = arith.constant 0 : i32
      %dma_wait3A_50 = tpu.memref_slice %arg11[%dma_wait3A_49] : memref<384xi32, #tpu.memory_space<vmem>> -> memref<128xi32, #tpu.memory_space<vmem>>
      %dma_wait3A_51 = arith.constant 0 : i32
      %dma_wait3A_52 = arith.constant 0 : i32
      %dma_wait3A_53 = tpu.memref_slice %arg2[%dma_wait3A_51, %dma_wait3A_52] : memref<10000x64xf32, #tpu.memory_space<hbm>> -> memref<10000x64xf32, #tpu.memory_space<hbm>>
      tpu.wait_indirect_dma semaphore(%arg17 : memref<!tpu.dma_semaphore, #tpu.memory_space<semaphore_mem>>) src(%dma_wait3A_53 : memref<10000x64xf32, #tpu.memory_space<hbm>>) dst(%dma_wait3A_48 : memref<128x64xf32, #tpu.memory_space<vmem>>)
      "tpu.region"() ({
        %run_scoped3A = tpu.sem_alloc : memref<!tpu.dma_semaphore, #tpu.memory_space<semaphore_mem>>
        %dma_start3A_78 = arith.constant 0 : i32
        %dma_start3A_79 = arith.constant 0 : i32
        %dma_start3A_80 = tpu.memref_slice %arg13[%dma_start3A_78, %dma_start3A_79] : memref<384x64xf32, #tpu.memory_space<vmem>> -> memref<128x64xf32, #tpu.memory_space<vmem>>
        %dma_start3A_81 = arith.constant 0 : i32
        %dma_start3A_82 = tpu.memref_slice %arg7[%add3A_15, %dma_start3A_81] : memref<320000x64xf32, #tpu.memory_space<hbm>> -> memref<128x64xf32, #tpu.memory_space<hbm>>
        %dma_start3A_83 = arith.constant 0 : i32
        %dma_start3A_84 = tpu.memref_slice %arg7[%add3A_15, %dma_start3A_83] : memref<320000x64xf32, #tpu.memory_space<hbm>> -> memref<128x64xf32, #tpu.memory_space<hbm>>
        %dma_start3A_85 = arith.constant 0 : i32
        %dma_start3A_86 = arith.constant 0 : i32
        %dma_start3A_87 = tpu.memref_slice %arg13[%dma_start3A_85, %dma_start3A_86] : memref<384x64xf32, #tpu.memory_space<vmem>> -> memref<128x64xf32, #tpu.memory_space<vmem>>
        tpu.enqueue_dma source(%dma_start3A_87 : memref<128x64xf32, #tpu.memory_space<vmem>>) target(%dma_start3A_84 : memref<128x64xf32, #tpu.memory_space<hbm>>) target_semaphore(%run_scoped3A : memref<!tpu.dma_semaphore, #tpu.memory_space<semaphore_mem>>)
        %dma_wait3A_88 = arith.constant 0 : i32
        %dma_wait3A_89 = arith.constant 0 : i32
        %dma_wait3A_90 = tpu.memref_slice %arg13[%dma_wait3A_88, %dma_wait3A_89] : memref<384x64xf32, #tpu.memory_space<vmem>> -> memref<128x64xf32, #tpu.memory_space<vmem>>
        %dma_wait3A_91 = arith.constant 0 : i32
        %dma_wait3A_92 = tpu.memref_slice %arg7[%add3A_15, %dma_wait3A_91] : memref<320000x64xf32, #tpu.memory_space<hbm>> -> memref<128x64xf32, #tpu.memory_space<hbm>>
        %dma_wait3A_93 = arith.constant 0 : i32
        %dma_wait3A_94 = tpu.memref_slice %arg7[%add3A_15, %dma_wait3A_93] : memref<320000x64xf32, #tpu.memory_space<hbm>> -> memref<128x64xf32, #tpu.memory_space<hbm>>
        %dma_wait3A_95 = arith.constant 0 : i32
        %dma_wait3A_96 = arith.constant 0 : i32
        %dma_wait3A_97 = tpu.memref_slice %arg13[%dma_wait3A_95, %dma_wait3A_96] : memref<384x64xf32, #tpu.memory_space<vmem>> -> memref<128x64xf32, #tpu.memory_space<vmem>>
        tpu.wait_dma2 semaphore(%run_scoped3A : memref<!tpu.dma_semaphore, #tpu.memory_space<semaphore_mem>>) src(%dma_wait3A_97 : memref<128x64xf32, #tpu.memory_space<vmem>>) dst(%dma_wait3A_94 : memref<128x64xf32, #tpu.memory_space<hbm>>)
        tpu.yield
      }) : () -> ()
      %dma_wait3A_54 = arith.constant 0 : i32
      %dma_wait3A_55 = arith.constant 0 : i32
      %dma_wait3A_56 = tpu.memref_slice %arg14[%dma_wait3A_54, %dma_wait3A_55] : memref<384x64xf32, #tpu.memory_space<vmem>> -> memref<128x64xf32, #tpu.memory_space<vmem>>
      %dma_wait3A_57 = arith.constant 0 : i32
      %dma_wait3A_58 = tpu.memref_slice %arg12[%dma_wait3A_57] : memref<384xi32, #tpu.memory_space<vmem>> -> memref<128xi32, #tpu.memory_space<vmem>>
      %dma_wait3A_59 = arith.constant 0 : i32
      %dma_wait3A_60 = arith.constant 0 : i32
      %dma_wait3A_61 = tpu.memref_slice %arg3[%dma_wait3A_59, %dma_wait3A_60] : memref<10000x64xf32, #tpu.memory_space<hbm>> -> memref<10000x64xf32, #tpu.memory_space<hbm>>
      tpu.wait_indirect_dma semaphore(%arg18 : memref<!tpu.dma_semaphore, #tpu.memory_space<semaphore_mem>>) src(%dma_wait3A_61 : memref<10000x64xf32, #tpu.memory_space<hbm>>) dst(%dma_wait3A_56 : memref<128x64xf32, #tpu.memory_space<vmem>>)
      "tpu.region"() ({
        %run_scoped3A = tpu.sem_alloc : memref<!tpu.dma_semaphore, #tpu.memory_space<semaphore_mem>>
        %dma_start3A_78 = arith.constant 0 : i32
        %dma_start3A_79 = arith.constant 0 : i32
        %dma_start3A_80 = tpu.memref_slice %arg14[%dma_start3A_78, %dma_start3A_79] : memref<384x64xf32, #tpu.memory_space<vmem>> -> memref<128x64xf32, #tpu.memory_space<vmem>>
        %dma_start3A_81 = arith.constant 0 : i32
        %dma_start3A_82 = tpu.memref_slice %arg8[%add3A_15, %dma_start3A_81] : memref<320000x64xf32, #tpu.memory_space<hbm>> -> memref<128x64xf32, #tpu.memory_space<hbm>>
        %dma_start3A_83 = arith.constant 0 : i32
        %dma_start3A_84 = tpu.memref_slice %arg8[%add3A_15, %dma_start3A_83] : memref<320000x64xf32, #tpu.memory_space<hbm>> -> memref<128x64xf32, #tpu.memory_space<hbm>>
        %dma_start3A_85 = arith.constant 0 : i32
        %dma_start3A_86 = arith.constant 0 : i32
        %dma_start3A_87 = tpu.memref_slice %arg14[%dma_start3A_85, %dma_start3A_86] : memref<384x64xf32, #tpu.memory_space<vmem>> -> memref<128x64xf32, #tpu.memory_space<vmem>>
        tpu.enqueue_dma source(%dma_start3A_87 : memref<128x64xf32, #tpu.memory_space<vmem>>) target(%dma_start3A_84 : memref<128x64xf32, #tpu.memory_space<hbm>>) target_semaphore(%run_scoped3A : memref<!tpu.dma_semaphore, #tpu.memory_space<semaphore_mem>>)
        %dma_wait3A_88 = arith.constant 0 : i32
        %dma_wait3A_89 = arith.constant 0 : i32
        %dma_wait3A_90 = tpu.memref_slice %arg14[%dma_wait3A_88, %dma_wait3A_89] : memref<384x64xf32, #tpu.memory_space<vmem>> -> memref<128x64xf32, #tpu.memory_space<vmem>>
        %dma_wait3A_91 = arith.constant 0 : i32
        %dma_wait3A_92 = tpu.memref_slice %arg8[%add3A_15, %dma_wait3A_91] : memref<320000x64xf32, #tpu.memory_space<hbm>> -> memref<128x64xf32, #tpu.memory_space<hbm>>
        %dma_wait3A_93 = arith.constant 0 : i32
        %dma_wait3A_94 = tpu.memref_slice %arg8[%add3A_15, %dma_wait3A_93] : memref<320000x64xf32, #tpu.memory_space<hbm>> -> memref<128x64xf32, #tpu.memory_space<hbm>>
        %dma_wait3A_95 = arith.constant 0 : i32
        %dma_wait3A_96 = arith.constant 0 : i32
        %dma_wait3A_97 = tpu.memref_slice %arg14[%dma_wait3A_95, %dma_wait3A_96] : memref<384x64xf32, #tpu.memory_space<vmem>> -> memref<128x64xf32, #tpu.memory_space<vmem>>
        tpu.wait_dma2 semaphore(%run_scoped3A : memref<!tpu.dma_semaphore, #tpu.memory_space<semaphore_mem>>) src(%dma_wait3A_97 : memref<128x64xf32, #tpu.memory_space<vmem>>) dst(%dma_wait3A_94 : memref<128x64xf32, #tpu.memory_space<hbm>>)
        tpu.yield
      }) : () -> ()
      %dma_wait3A_62 = arith.constant 0 : i32
      %dma_wait3A_63 = arith.constant 0 : i32
      %dma_wait3A_64 = tpu.memref_slice %arg15[%dma_wait3A_62, %dma_wait3A_63] : memref<384x8xf32, #tpu.memory_space<vmem>> -> memref<128x8xf32, #tpu.memory_space<vmem>>
      %dma_wait3A_65 = arith.constant 0 : i32
      %dma_wait3A_66 = tpu.memref_slice %arg11[%dma_wait3A_65] : memref<384xi32, #tpu.memory_space<vmem>> -> memref<128xi32, #tpu.memory_space<vmem>>
      %dma_wait3A_67 = arith.constant 0 : i32
      %dma_wait3A_68 = arith.constant 0 : i32
      %dma_wait3A_69 = tpu.memref_slice %arg6[%dma_wait3A_67, %dma_wait3A_68] : memref<10000x8xf32, #tpu.memory_space<hbm>> -> memref<10000x8xf32, #tpu.memory_space<hbm>>
      tpu.wait_indirect_dma semaphore(%arg19 : memref<!tpu.dma_semaphore, #tpu.memory_space<semaphore_mem>>) src(%dma_wait3A_69 : memref<10000x8xf32, #tpu.memory_space<hbm>>) dst(%dma_wait3A_64 : memref<128x8xf32, #tpu.memory_space<vmem>>)
      "tpu.region"() ({
        %run_scoped3A = tpu.sem_alloc : memref<!tpu.dma_semaphore, #tpu.memory_space<semaphore_mem>>
        %dma_start3A_78 = arith.constant 0 : i32
        %dma_start3A_79 = arith.constant 0 : i32
        %dma_start3A_80 = tpu.memref_slice %arg15[%dma_start3A_78, %dma_start3A_79] : memref<384x8xf32, #tpu.memory_space<vmem>> -> memref<128x8xf32, #tpu.memory_space<vmem>>
        %dma_start3A_81 = arith.constant 0 : i32
        %dma_start3A_82 = tpu.memref_slice %arg9[%add3A_15, %dma_start3A_81] : memref<320000x8xf32, #tpu.memory_space<hbm>> -> memref<128x8xf32, #tpu.memory_space<hbm>>
        %dma_start3A_83 = arith.constant 0 : i32
        %dma_start3A_84 = tpu.memref_slice %arg9[%add3A_15, %dma_start3A_83] : memref<320000x8xf32, #tpu.memory_space<hbm>> -> memref<128x8xf32, #tpu.memory_space<hbm>>
        %dma_start3A_85 = arith.constant 0 : i32
        %dma_start3A_86 = arith.constant 0 : i32
        %dma_start3A_87 = tpu.memref_slice %arg15[%dma_start3A_85, %dma_start3A_86] : memref<384x8xf32, #tpu.memory_space<vmem>> -> memref<128x8xf32, #tpu.memory_space<vmem>>
        tpu.enqueue_dma source(%dma_start3A_87 : memref<128x8xf32, #tpu.memory_space<vmem>>) target(%dma_start3A_84 : memref<128x8xf32, #tpu.memory_space<hbm>>) target_semaphore(%run_scoped3A : memref<!tpu.dma_semaphore, #tpu.memory_space<semaphore_mem>>)
        %dma_wait3A_88 = arith.constant 0 : i32
        %dma_wait3A_89 = arith.constant 0 : i32
        %dma_wait3A_90 = tpu.memref_slice %arg15[%dma_wait3A_88, %dma_wait3A_89] : memref<384x8xf32, #tpu.memory_space<vmem>> -> memref<128x8xf32, #tpu.memory_space<vmem>>
        %dma_wait3A_91 = arith.constant 0 : i32
        %dma_wait3A_92 = tpu.memref_slice %arg9[%add3A_15, %dma_wait3A_91] : memref<320000x8xf32, #tpu.memory_space<hbm>> -> memref<128x8xf32, #tpu.memory_space<hbm>>
        %dma_wait3A_93 = arith.constant 0 : i32
        %dma_wait3A_94 = tpu.memref_slice %arg9[%add3A_15, %dma_wait3A_93] : memref<320000x8xf32, #tpu.memory_space<hbm>> -> memref<128x8xf32, #tpu.memory_space<hbm>>
        %dma_wait3A_95 = arith.constant 0 : i32
        %dma_wait3A_96 = arith.constant 0 : i32
        %dma_wait3A_97 = tpu.memref_slice %arg15[%dma_wait3A_95, %dma_wait3A_96] : memref<384x8xf32, #tpu.memory_space<vmem>> -> memref<128x8xf32, #tpu.memory_space<vmem>>
        tpu.wait_dma2 semaphore(%run_scoped3A : memref<!tpu.dma_semaphore, #tpu.memory_space<semaphore_mem>>) src(%dma_wait3A_97 : memref<128x8xf32, #tpu.memory_space<vmem>>) dst(%dma_wait3A_94 : memref<128x8xf32, #tpu.memory_space<hbm>>)
        tpu.yield
      }) : () -> ()
      %dma_wait3A_70 = arith.constant 0 : i32
      %dma_wait3A_71 = arith.constant 0 : i32
      %dma_wait3A_72 = tpu.memref_slice %arg16[%dma_wait3A_70, %dma_wait3A_71] : memref<384x8xf32, #tpu.memory_space<vmem>> -> memref<128x8xf32, #tpu.memory_space<vmem>>
      %dma_wait3A_73 = arith.constant 0 : i32
      %dma_wait3A_74 = tpu.memref_slice %arg12[%dma_wait3A_73] : memref<384xi32, #tpu.memory_space<vmem>> -> memref<128xi32, #tpu.memory_space<vmem>>
      %dma_wait3A_75 = arith.constant 0 : i32
      %dma_wait3A_76 = arith.constant 0 : i32
      %dma_wait3A_77 = tpu.memref_slice %arg6[%dma_wait3A_75, %dma_wait3A_76] : memref<10000x8xf32, #tpu.memory_space<hbm>> -> memref<10000x8xf32, #tpu.memory_space<hbm>>
      tpu.wait_indirect_dma semaphore(%arg20 : memref<!tpu.dma_semaphore, #tpu.memory_space<semaphore_mem>>) src(%dma_wait3A_77 : memref<10000x8xf32, #tpu.memory_space<hbm>>) dst(%dma_wait3A_72 : memref<128x8xf32, #tpu.memory_space<vmem>>)
      "tpu.region"() ({
        %run_scoped3A = tpu.sem_alloc : memref<!tpu.dma_semaphore, #tpu.memory_space<semaphore_mem>>
        %dma_start3A_78 = arith.constant 0 : i32
        %dma_start3A_79 = arith.constant 0 : i32
        %dma_start3A_80 = tpu.memref_slice %arg16[%dma_start3A_78, %dma_start3A_79] : memref<384x8xf32, #tpu.memory_space<vmem>> -> memref<128x8xf32, #tpu.memory_space<vmem>>
        %dma_start3A_81 = arith.constant 0 : i32
        %dma_start3A_82 = tpu.memref_slice %arg10[%add3A_15, %dma_start3A_81] : memref<320000x8xf32, #tpu.memory_space<hbm>> -> memref<128x8xf32, #tpu.memory_space<hbm>>
        %dma_start3A_83 = arith.constant 0 : i32
        %dma_start3A_84 = tpu.memref_slice %arg10[%add3A_15, %dma_start3A_83] : memref<320000x8xf32, #tpu.memory_space<hbm>> -> memref<128x8xf32, #tpu.memory_space<hbm>>
        %dma_start3A_85 = arith.constant 0 : i32
        %dma_start3A_86 = arith.constant 0 : i32
        %dma_start3A_87 = tpu.memref_slice %arg16[%dma_start3A_85, %dma_start3A_86] : memref<384x8xf32, #tpu.memory_space<vmem>> -> memref<128x8xf32, #tpu.memory_space<vmem>>
        tpu.enqueue_dma source(%dma_start3A_87 : memref<128x8xf32, #tpu.memory_space<vmem>>) target(%dma_start3A_84 : memref<128x8xf32, #tpu.memory_space<hbm>>) target_semaphore(%run_scoped3A : memref<!tpu.dma_semaphore, #tpu.memory_space<semaphore_mem>>)
        %dma_wait3A_88 = arith.constant 0 : i32
        %dma_wait3A_89 = arith.constant 0 : i32
        %dma_wait3A_90 = tpu.memref_slice %arg16[%dma_wait3A_88, %dma_wait3A_89] : memref<384x8xf32, #tpu.memory_space<vmem>> -> memref<128x8xf32, #tpu.memory_space<vmem>>
        %dma_wait3A_91 = arith.constant 0 : i32
        %dma_wait3A_92 = tpu.memref_slice %arg10[%add3A_15, %dma_wait3A_91] : memref<320000x8xf32, #tpu.memory_space<hbm>> -> memref<128x8xf32, #tpu.memory_space<hbm>>
        %dma_wait3A_93 = arith.constant 0 : i32
        %dma_wait3A_94 = tpu.memref_slice %arg10[%add3A_15, %dma_wait3A_93] : memref<320000x8xf32, #tpu.memory_space<hbm>> -> memref<128x8xf32, #tpu.memory_space<hbm>>
        %dma_wait3A_95 = arith.constant 0 : i32
        %dma_wait3A_96 = arith.constant 0 : i32
        %dma_wait3A_97 = tpu.memref_slice %arg16[%dma_wait3A_95, %dma_wait3A_96] : memref<384x8xf32, #tpu.memory_space<vmem>> -> memref<128x8xf32, #tpu.memory_space<vmem>>
        tpu.wait_dma2 semaphore(%run_scoped3A : memref<!tpu.dma_semaphore, #tpu.memory_space<semaphore_mem>>) src(%dma_wait3A_97 : memref<128x8xf32, #tpu.memory_space<vmem>>) dst(%dma_wait3A_94 : memref<128x8xf32, #tpu.memory_space<hbm>>)
        tpu.yield
      }) : () -> ()
    } else {
    }
    return
  }
}

module attributes {stable_mosaic.version = 14 : i64} {
  func.func @_precompute_body(%arg0: i32, %arg1: memref<2000x128xf32, #tpu.memory_space<vmem>>, %arg2: memref<128x128xf32, #tpu.memory_space<vmem>>, %arg3: memref<128x128xf32, #tpu.memory_space<vmem>>, %arg4: memref<2000x128xf32, #tpu.memory_space<vmem>>, %arg5: memref<2000x128xf32, #tpu.memory_space<vmem>>) attributes {dimension_semantics = [#tpu.dimension_semantics<arbitrary>], iteration_bounds = array<i64: 5>, scalar_prefetch = 0 : i64, scratch_operands = 0 : i64, tpu.core_type = #tpu.core_type<tc>, window_params = [{transform_indices = @transform_0, window_bounds = array<i64: 2000, 128>}, {pipeline_mode = #tpu.pipeline_mode<synchronous>, transform_indices = @transform_1, window_bounds = array<i64: 128, 128>}, {pipeline_mode = #tpu.pipeline_mode<synchronous>, transform_indices = @transform_2, window_bounds = array<i64: 128, 128>}, {transform_indices = @transform_3, window_bounds = array<i64: 2000, 128>}, {transform_indices = @transform_4, window_bounds = array<i64: 2000, 128>}]} {
    %get3A = arith.constant 0 : index
    %get3A_0 = arith.constant 0 : index
    %get3A_1 = vector.load %arg1[%get3A, %get3A_0] : memref<2000x128xf32, #tpu.memory_space<vmem>>, vector<2000x128xf32>
    %get3A_2 = arith.constant 0 : index
    %get3A_3 = arith.constant 0 : index
    %get3A_4 = vector.load %arg2[%get3A_2, %get3A_3] : memref<128x128xf32, #tpu.memory_space<vmem>>, vector<128x128xf32>
    %dot_general3A = arith.constant dense<0.000000e+00> : vector<2000x128xf32>
    %dot_general3A_5 = tpu.matmul %get3A_1, %get3A_4, %dot_general3A {dimension_numbers = #tpu.dot_dimension_numbers<[1], [0], [0], [1], [0, 0, 1, 1], [], []>, transpose_lhs_hint = false} : vector<2000x128xf32>, vector<128x128xf32>, vector<2000x128xf32> -> vector<2000x128xf32>
    %swap3A = arith.constant 0 : index
    %swap3A_6 = arith.constant 0 : index
    %swap3A_7 = vector.load %arg4[%swap3A, %swap3A_6] : memref<2000x128xf32, #tpu.memory_space<vmem>>, vector<2000x128xf32>
    tpu.vector_store %arg4[%swap3A, %swap3A_6], %dot_general3A_5 {strides = array<i32>} : memref<2000x128xf32, #tpu.memory_space<vmem>>, vector<2000x128xf32>,
    %get3A_8 = arith.constant 0 : index
    %get3A_9 = arith.constant 0 : index
    %get3A_10 = vector.load %arg3[%get3A_8, %get3A_9] : memref<128x128xf32, #tpu.memory_space<vmem>>, vector<128x128xf32>
    %dot_general3A_11 = arith.constant dense<0.000000e+00> : vector<2000x128xf32>
    %dot_general3A_12 = tpu.matmul %get3A_1, %get3A_10, %dot_general3A_11 {dimension_numbers = #tpu.dot_dimension_numbers<[1], [0], [0], [1], [0, 0, 1, 1], [], []>, transpose_lhs_hint = false} : vector<2000x128xf32>, vector<128x128xf32>, vector<2000x128xf32> -> vector<2000x128xf32>
    %swap3A_13 = arith.constant 0 : index
    %swap3A_14 = arith.constant 0 : index
    %swap3A_15 = vector.load %arg5[%swap3A_13, %swap3A_14] : memref<2000x128xf32, #tpu.memory_space<vmem>>, vector<2000x128xf32>
    tpu.vector_store %arg5[%swap3A_13, %swap3A_14], %dot_general3A_12 {strides = array<i32>} : memref<2000x128xf32, #tpu.memory_space<vmem>>, vector<2000x128xf32>,
    return
  }
  func.func @transform_0(%arg0: i32) -> (i32, i32) {
    %c0_i32 = arith.constant 0 : i32
    %c0_i32_0 = arith.constant 0 : i32
    return %arg0, %c0_i32 : i32, i32
  }
  func.func @transform_1(%arg0: i32) -> (i32, i32) {
    %c0_i32 = arith.constant 0 : i32
    %c0_i32_0 = arith.constant 0 : i32
    %c0_i32_1 = arith.constant 0 : i32
    return %c0_i32, %c0_i32_0 : i32, i32
  }
  func.func @transform_2(%arg0: i32) -> (i32, i32) {
    %c0_i32 = arith.constant 0 : i32
    %c0_i32_0 = arith.constant 0 : i32
    %c0_i32_1 = arith.constant 0 : i32
    return %c0_i32, %c0_i32_0 : i32, i32
  }
  func.func @transform_3(%arg0: i32) -> (i32, i32) {
    %c0_i32 = arith.constant 0 : i32
    %c0_i32_0 = arith.constant 0 : i32
    return %arg0, %c0_i32 : i32, i32
  }
  func.func @transform_4(%arg0: i32) -> (i32, i32) {
    %c0_i32 = arith.constant 0 : i32
    %c0_i32_0 = arith.constant 0 : i32
    return %arg0, %c0_i32 : i32, i32
  }
}

module attributes {stable_mosaic.version = 14 : i64} {
  func.func @_edge_mlp_body(%arg0: i32, %arg1: memref<640x128xf32, #tpu.memory_space<vmem>>, %arg2: memref<640x128xf32, #tpu.memory_space<vmem>>, %arg3: memref<80x128xf32, #tpu.memory_space<vmem>>, %arg4: memref<80x128xf32, #tpu.memory_space<vmem>>, %arg5: memref<128x16xf32, #tpu.memory_space<vmem>>, %arg6: memref<16x1024xf32, #tpu.memory_space<vmem>>, %arg7: memref<16x1024xf32, #tpu.memory_space<vmem>>, %arg8: memref<1x128xf32, #tpu.memory_space<vmem>>, %arg9: memref<1x128xf32, #tpu.memory_space<vmem>>, %arg10: memref<128x256xbf16, #tpu.memory_space<vmem>>, %arg11: memref<128x256xbf16, #tpu.memory_space<vmem>>, %arg12: memref<1x256xf32, #tpu.memory_space<vmem>>, %arg13: memref<1280x128xf32, #tpu.memory_space<vmem>>) attributes {dimension_semantics = [#tpu.dimension_semantics<arbitrary>], iteration_bounds = array<i64: 250>, scalar_prefetch = 0 : i64, scratch_operands = 0 : i64, tpu.core_type = #tpu.core_type<tc>, window_params = [{transform_indices = @transform_0, window_bounds = array<i64: 640, 128>}, {transform_indices = @transform_1, window_bounds = array<i64: 640, 128>}, {transform_indices = @transform_2, window_bounds = array<i64: 80, 128>}, {transform_indices = @transform_3, window_bounds = array<i64: 80, 128>}, {pipeline_mode = #tpu.pipeline_mode<synchronous>, transform_indices = @transform_4, window_bounds = array<i64: 128, 16>}, {pipeline_mode = #tpu.pipeline_mode<synchronous>, transform_indices = @transform_5, window_bounds = array<i64: 16, 1024>}, {pipeline_mode = #tpu.pipeline_mode<synchronous>, transform_indices = @transform_6, window_bounds = array<i64: 16, 1024>}, {pipeline_mode = #tpu.pipeline_mode<synchronous>, transform_indices = @transform_7, window_bounds = array<i64: 1, 128>}, {pipeline_mode = #tpu.pipeline_mode<synchronous>, transform_indices = @transform_8, window_bounds = array<i64: 1, 128>}, {pipeline_mode = #tpu.pipeline_mode<synchronous>, transform_indices = @transform_9, window_bounds = array<i64: 128, 256>}, {pipeline_mode = #tpu.pipeline_mode<synchronous>, transform_indices = @transform_10, window_bounds = array<i64: 128, 256>}, {pipeline_mode = #tpu.pipeline_mode<synchronous>, transform_indices = @transform_11, window_bounds = array<i64: 1, 256>}, {transform_indices = @transform_12, window_bounds = array<i64: 1280, 128>}]} {
    %get3A = arith.constant 0 : index
    %get3A_0 = arith.constant 0 : index
    %get3A_1 = vector.load %arg3[%get3A, %get3A_0] : memref<80x128xf32, #tpu.memory_space<vmem>>, vector<80x128xf32>
    %get3A_2 = arith.constant 0 : index
    %get3A_3 = arith.constant 0 : index
    %get3A_4 = vector.load %arg4[%get3A_2, %get3A_3] : memref<80x128xf32, #tpu.memory_space<vmem>>, vector<80x128xf32>
    %sub3A = arith.subf %get3A_1, %get3A_4 : vector<80x128xf32>
    %mul3A = arith.mulf %sub3A, %sub3A : vector<80x128xf32>
    %get3A_5 = arith.constant 0 : index
    %get3A_6 = arith.constant 0 : index
    %get3A_7 = vector.load %arg5[%get3A_5, %get3A_6] : memref<128x16xf32, #tpu.memory_space<vmem>>, vector<128x16xf32>
    %dot_general3A = arith.constant dense<0.000000e+00> : vector<80x16xf32>
    %dot_general3A_8 = tpu.matmul %mul3A, %get3A_7, %dot_general3A {dimension_numbers = #tpu.dot_dimension_numbers<[1], [0], [0], [1], [0, 0, 1, 1], [], []>, transpose_lhs_hint = false} : vector<80x128xf32>, vector<128x16xf32>, vector<80x16xf32> -> vector<80x16xf32>
    %sqrt3A = math.sqrt %dot_general3A_8 : vector<80x16xf32>
    %get3A_9 = arith.constant 0 : index
    %get3A_10 = arith.constant 0 : index
    %get3A_11 = vector.load %arg6[%get3A_9, %get3A_10] : memref<16x1024xf32, #tpu.memory_space<vmem>>, vector<16x1024xf32>
    %dot_general3A_12 = arith.constant dense<0.000000e+00> : vector<80x1024xf32>
    %dot_general3A_13 = tpu.matmul %sqrt3A, %get3A_11, %dot_general3A_12 {dimension_numbers = #tpu.dot_dimension_numbers<[1], [0], [0], [1], [0, 0, 1, 1], [], []>, transpose_lhs_hint = false} : vector<80x16xf32>, vector<16x1024xf32>, vector<80x1024xf32> -> vector<80x1024xf32>
    %reshape3A = vector.shape_cast %dot_general3A_13 : vector<80x1024xf32> to vector<640x128xf32>
    %get3A_14 = arith.constant 0 : index
    %get3A_15 = arith.constant 0 : index
    %get3A_16 = vector.load %arg7[%get3A_14, %get3A_15] : memref<16x1024xf32, #tpu.memory_space<vmem>>, vector<16x1024xf32>
    %dot_general3A_17 = arith.constant dense<0.000000e+00> : vector<80x1024xf32>
    %dot_general3A_18 = tpu.matmul %sqrt3A, %get3A_16, %dot_general3A_17 {dimension_numbers = #tpu.dot_dimension_numbers<[1], [0], [0], [1], [0, 0, 1, 1], [], []>, transpose_lhs_hint = false} : vector<80x16xf32>, vector<16x1024xf32>, vector<80x1024xf32> -> vector<80x1024xf32>
    %reshape3A_19 = vector.shape_cast %dot_general3A_18 : vector<80x1024xf32> to vector<640x128xf32>
    %get3A_20 = arith.constant 0 : index
    %get3A_21 = arith.constant 0 : index
    %get3A_22 = vector.load %arg1[%get3A_20, %get3A_21] : memref<640x128xf32, #tpu.memory_space<vmem>>, vector<640x128xf32>
    %bitcast3A = tpu.bitcast %get3A_22 : vector<640x128xf32> -> vector<640x128xi32>
    %get3A_23 = arith.constant 0 : index
    %get3A_24 = arith.constant 0 : index
    %get3A_25 = vector.load %arg2[%get3A_23, %get3A_24] : memref<640x128xf32, #tpu.memory_space<vmem>>, vector<640x128xf32>
    %bitcast3A_26 = tpu.bitcast %get3A_25 : vector<640x128xf32> -> vector<640x128xi32>
    %shift_left3A = arith.constant 16 : i32
    %shift_left3A_27 = vector.broadcast %shift_left3A : i32 to vector<640x128xi32>
    %shift_left3A_28 = arith.shli %bitcast3A, %shift_left3A_27 : vector<640x128xi32>
    %bitcast3A_29 = tpu.bitcast %shift_left3A_28 : vector<640x128xi32> -> vector<640x128xf32>
    %shift_left3A_30 = arith.constant 16 : i32
    %shift_left3A_31 = vector.broadcast %shift_left3A_30 : i32 to vector<640x128xi32>
    %shift_left3A_32 = arith.shli %bitcast3A_26, %shift_left3A_31 : vector<640x128xi32>
    %bitcast3A_33 = tpu.bitcast %shift_left3A_32 : vector<640x128xi32> -> vector<640x128xf32>
    %add3A = arith.addf %bitcast3A_29, %bitcast3A_33 : vector<640x128xf32>
    %and3A = arith.constant -65536 : i32
    %and3A_34 = vector.broadcast %and3A : i32 to vector<640x128xi32>
    %and3A_35 = arith.andi %bitcast3A, %and3A_34 : vector<640x128xi32>
    %bitcast3A_36 = tpu.bitcast %and3A_35 : vector<640x128xi32> -> vector<640x128xf32>
    %and3A_37 = arith.constant -65536 : i32
    %and3A_38 = vector.broadcast %and3A_37 : i32 to vector<640x128xi32>
    %and3A_39 = arith.andi %bitcast3A_26, %and3A_38 : vector<640x128xi32>
    %bitcast3A_40 = tpu.bitcast %and3A_39 : vector<640x128xi32> -> vector<640x128xf32>
    %add3A_41 = arith.addf %bitcast3A_36, %bitcast3A_40 : vector<640x128xf32>
    %add3A_42 = arith.addf %add3A, %reshape3A : vector<640x128xf32>
    %get3A_43 = arith.constant 0 : index
    %get3A_44 = arith.constant 0 : index
    %get3A_45 = vector.load %arg8[%get3A_43, %get3A_44] : memref<1x128xf32, #tpu.memory_space<vmem>>, vector<1x128xf32>
    %add3A_46 = vector.broadcast %get3A_45 : vector<1x128xf32> to vector<640x128xf32>
    %add3A_47 = arith.addf %add3A_42, %add3A_46 : vector<640x128xf32>
    %neg3A = arith.constant 0.000000e+00 : f32
    %neg3A_48 = vector.broadcast %neg3A : f32 to vector<640x128xf32>
    %neg3A_49 = arith.subf %neg3A_48, %add3A_47 : vector<640x128xf32>
    %exp3A = math.exp %neg3A_49 : vector<640x128xf32>
    %add3A_50 = arith.constant 1.000000e+00 : f32
    %add3A_51 = vector.broadcast %add3A_50 : f32 to vector<640x128xf32>
    %add3A_52 = arith.addf %add3A_51, %exp3A : vector<640x128xf32>
    %div3A = arith.constant 1.000000e+00 : f32
    %div3A_53 = vector.broadcast %div3A : f32 to vector<640x128xf32>
    %div3A_54 = arith.divf %div3A_53, %add3A_52 : vector<640x128xf32>
    %mul3A_55 = arith.mulf %add3A_47, %div3A_54 : vector<640x128xf32>
    %convert_element_type3A = arith.truncf %mul3A_55 : vector<640x128xf32> to vector<640x128xbf16>
    %add3A_56 = arith.addf %add3A_41, %reshape3A_19 : vector<640x128xf32>
    %get3A_57 = arith.constant 0 : index
    %get3A_58 = arith.constant 0 : index
    %get3A_59 = vector.load %arg9[%get3A_57, %get3A_58] : memref<1x128xf32, #tpu.memory_space<vmem>>, vector<1x128xf32>
    %add3A_60 = vector.broadcast %get3A_59 : vector<1x128xf32> to vector<640x128xf32>
    %add3A_61 = arith.addf %add3A_56, %add3A_60 : vector<640x128xf32>
    %neg3A_62 = arith.constant 0.000000e+00 : f32
    %neg3A_63 = vector.broadcast %neg3A_62 : f32 to vector<640x128xf32>
    %neg3A_64 = arith.subf %neg3A_63, %add3A_61 : vector<640x128xf32>
    %exp3A_65 = math.exp %neg3A_64 : vector<640x128xf32>
    %add3A_66 = arith.constant 1.000000e+00 : f32
    %add3A_67 = vector.broadcast %add3A_66 : f32 to vector<640x128xf32>
    %add3A_68 = arith.addf %add3A_67, %exp3A_65 : vector<640x128xf32>
    %div3A_69 = arith.constant 1.000000e+00 : f32
    %div3A_70 = vector.broadcast %div3A_69 : f32 to vector<640x128xf32>
    %div3A_71 = arith.divf %div3A_70, %add3A_68 : vector<640x128xf32>
    %mul3A_72 = arith.mulf %add3A_61, %div3A_71 : vector<640x128xf32>
    %convert_element_type3A_73 = arith.truncf %mul3A_72 : vector<640x128xf32> to vector<640x128xbf16>
    %get3A_74 = arith.constant 0 : index
    %get3A_75 = arith.constant 0 : index
    %get3A_76 = vector.load %arg10[%get3A_74, %get3A_75] : memref<128x256xbf16, #tpu.memory_space<vmem>>, vector<128x256xbf16>
    %dot_general3A_77 = arith.constant dense<0.000000e+00> : vector<640x256xf32>
    %dot_general3A_78 = tpu.matmul %convert_element_type3A, %get3A_76, %dot_general3A_77 {dimension_numbers = #tpu.dot_dimension_numbers<[1], [0], [0], [1], [0, 0, 1, 1], [], []>, transpose_lhs_hint = false} : vector<640x128xbf16>, vector<128x256xbf16>, vector<640x256xf32> -> vector<640x256xf32>
    %get3A_79 = arith.constant 0 : index
    %get3A_80 = arith.constant 0 : index
    %get3A_81 = vector.load %arg11[%get3A_79, %get3A_80] : memref<128x256xbf16, #tpu.memory_space<vmem>>, vector<128x256xbf16>
    %dot_general3A_82 = arith.constant dense<0.000000e+00> : vector<640x256xf32>
    %dot_general3A_83 = tpu.matmul %convert_element_type3A_73, %get3A_81, %dot_general3A_82 {dimension_numbers = #tpu.dot_dimension_numbers<[1], [0], [0], [1], [0, 0, 1, 1], [], []>, transpose_lhs_hint = false} : vector<640x128xbf16>, vector<128x256xbf16>, vector<640x256xf32> -> vector<640x256xf32>
    %add3A_84 = arith.addf %dot_general3A_78, %dot_general3A_83 : vector<640x256xf32>
    %get3A_85 = arith.constant 0 : index
    %get3A_86 = arith.constant 0 : index
    %get3A_87 = vector.load %arg12[%get3A_85, %get3A_86] : memref<1x256xf32, #tpu.memory_space<vmem>>, vector<1x256xf32>
    %add3A_88 = vector.broadcast %get3A_87 : vector<1x256xf32> to vector<640x256xf32>
    %add3A_89 = arith.addf %add3A_84, %add3A_88 : vector<640x256xf32>
    %neg3A_90 = arith.constant 0.000000e+00 : f32
    %neg3A_91 = vector.broadcast %neg3A_90 : f32 to vector<640x256xf32>
    %neg3A_92 = arith.subf %neg3A_91, %add3A_89 : vector<640x256xf32>
    %exp3A_93 = math.exp %neg3A_92 : vector<640x256xf32>
    %add3A_94 = arith.constant 1.000000e+00 : f32
    %add3A_95 = vector.broadcast %add3A_94 : f32 to vector<640x256xf32>
    %add3A_96 = arith.addf %add3A_95, %exp3A_93 : vector<640x256xf32>
    %div3A_97 = arith.constant 1.000000e+00 : f32
    %div3A_98 = vector.broadcast %div3A_97 : f32 to vector<640x256xf32>
    %div3A_99 = arith.divf %div3A_98, %add3A_96 : vector<640x256xf32>
    %mul3A_100 = arith.mulf %add3A_89, %div3A_99 : vector<640x256xf32>
    %reshape3A_101 = vector.shape_cast %mul3A_100 : vector<640x256xf32> to vector<1280x128xf32>
    %swap3A = arith.constant 0 : index
    %swap3A_102 = arith.constant 0 : index
    %swap3A_103 = vector.load %arg13[%swap3A, %swap3A_102] : memref<1280x128xf32, #tpu.memory_space<vmem>>, vector<1280x128xf32>
    tpu.vector_store %arg13[%swap3A, %swap3A_102], %reshape3A_101 {strides = array<i32>} : memref<1280x128xf32, #tpu.memory_space<vmem>>, vector<1280x128xf32>,
    return
  }
  func.func @transform_0(%arg0: i32) -> (i32, i32) {
    %c0_i32 = arith.constant 0 : i32
    %c0_i32_0 = arith.constant 0 : i32
    return %arg0, %c0_i32 : i32, i32
  }
  func.func @transform_1(%arg0: i32) -> (i32, i32) {
    %c0_i32 = arith.constant 0 : i32
    %c0_i32_0 = arith.constant 0 : i32
    return %arg0, %c0_i32 : i32, i32
  }
  func.func @transform_2(%arg0: i32) -> (i32, i32) {
    %c0_i32 = arith.constant 0 : i32
    %c0_i32_0 = arith.constant 0 : i32
    return %arg0, %c0_i32 : i32, i32
  }
  func.func @transform_3(%arg0: i32) -> (i32, i32) {
    %c0_i32 = arith.constant 0 : i32
    %c0_i32_0 = arith.constant 0 : i32
    return %arg0, %c0_i32 : i32, i32
  }
  func.func @transform_4(%arg0: i32) -> (i32, i32) {
    %c0_i32 = arith.constant 0 : i32
    %c0_i32_0 = arith.constant 0 : i32
    %c0_i32_1 = arith.constant 0 : i32
    return %c0_i32, %c0_i32_0 : i32, i32
  }
  func.func @transform_5(%arg0: i32) -> (i32, i32) {
    %c0_i32 = arith.constant 0 : i32
    %c0_i32_0 = arith.constant 0 : i32
    %c0_i32_1 = arith.constant 0 : i32
    return %c0_i32, %c0_i32_0 : i32, i32
  }
  func.func @transform_6(%arg0: i32) -> (i32, i32) {
    %c0_i32 = arith.constant 0 : i32
    %c0_i32_0 = arith.constant 0 : i32
    %c0_i32_1 = arith.constant 0 : i32
    return %c0_i32, %c0_i32_0 : i32, i32
  }
  func.func @transform_7(%arg0: i32) -> (i32, i32) {
    %c0_i32 = arith.constant 0 : i32
    %c0_i32_0 = arith.constant 0 : i32
    %c0_i32_1 = arith.constant 0 : i32
    return %c0_i32, %c0_i32_0 : i32, i32
  }
  func.func @transform_8(%arg0: i32) -> (i32, i32) {
    %c0_i32 = arith.constant 0 : i32
    %c0_i32_0 = arith.constant 0 : i32
    %c0_i32_1 = arith.constant 0 : i32
    return %c0_i32, %c0_i32_0 : i32, i32
  }
  func.func @transform_9(%arg0: i32) -> (i32, i32) {
    %c0_i32 = arith.constant 0 : i32
    %c0_i32_0 = arith.constant 0 : i32
    %c0_i32_1 = arith.constant 0 : i32
    return %c0_i32, %c0_i32_0 : i32, i32
  }
  func.func @transform_10(%arg0: i32) -> (i32, i32) {
    %c0_i32 = arith.constant 0 : i32
    %c0_i32_0 = arith.constant 0 : i32
    %c0_i32_1 = arith.constant 0 : i32
    return %c0_i32, %c0_i32_0 : i32, i32
  }
  func.func @transform_11(%arg0: i32) -> (i32, i32) {
    %c0_i32 = arith.constant 0 : i32
    %c0_i32_0 = arith.constant 0 : i32
    %c0_i32_1 = arith.constant 0 : i32
    return %c0_i32, %c0_i32_0 : i32, i32
  }
  func.func @transform_12(%arg0: i32) -> (i32, i32) {
    %c0_i32 = arith.constant 0 : i32
    %c0_i32_0 = arith.constant 0 : i32
    return %arg0, %c0_i32 : i32, i32
  }
}

module attributes {stable_mosaic.version = 14 : i64} {
  func.func @_node_mlp_body(%arg0: i32, %arg1: memref<2000x128xf32, #tpu.memory_space<vmem>>, %arg2: memref<2000x128xf32, #tpu.memory_space<vmem>>, %arg3: memref<2000x128xf32, #tpu.memory_space<vmem>>, %arg4: memref<128x128xf32, #tpu.memory_space<vmem>>, %arg5: memref<128x128xf32, #tpu.memory_space<vmem>>, %arg6: memref<1x128xf32, #tpu.memory_space<vmem>>, %arg7: memref<128x128xf32, #tpu.memory_space<vmem>>, %arg8: memref<1x128xf32, #tpu.memory_space<vmem>>, %arg9: memref<2000x128xf32, #tpu.memory_space<vmem>>) attributes {dimension_semantics = [#tpu.dimension_semantics<arbitrary>], iteration_bounds = array<i64: 5>, scalar_prefetch = 0 : i64, scratch_operands = 0 : i64, tpu.core_type = #tpu.core_type<tc>, window_params = [{transform_indices = @transform_0, window_bounds = array<i64: 2000, 128>}, {transform_indices = @transform_1, window_bounds = array<i64: 2000, 128>}, {transform_indices = @transform_2, window_bounds = array<i64: 2000, 128>}, {pipeline_mode = #tpu.pipeline_mode<synchronous>, transform_indices = @transform_3, window_bounds = array<i64: 128, 128>}, {pipeline_mode = #tpu.pipeline_mode<synchronous>, transform_indices = @transform_4, window_bounds = array<i64: 128, 128>}, {pipeline_mode = #tpu.pipeline_mode<synchronous>, transform_indices = @transform_5, window_bounds = array<i64: 1, 128>}, {pipeline_mode = #tpu.pipeline_mode<synchronous>, transform_indices = @transform_6, window_bounds = array<i64: 128, 128>}, {pipeline_mode = #tpu.pipeline_mode<synchronous>, transform_indices = @transform_7, window_bounds = array<i64: 1, 128>}, {transform_indices = @transform_8, window_bounds = array<i64: 2000, 128>}]} {
    %get3A = arith.constant 0 : index
    %get3A_0 = arith.constant 0 : index
    %get3A_1 = vector.load %arg2[%get3A, %get3A_0] : memref<2000x128xf32, #tpu.memory_space<vmem>>, vector<2000x128xf32>
    %get3A_2 = arith.constant 0 : index
    %get3A_3 = arith.constant 0 : index
    %get3A_4 = vector.load %arg3[%get3A_2, %get3A_3] : memref<2000x128xf32, #tpu.memory_space<vmem>>, vector<2000x128xf32>
    %add3A = arith.addf %get3A_1, %get3A_4 : vector<2000x128xf32>
    %get3A_5 = arith.constant 0 : index
    %get3A_6 = arith.constant 0 : index
    %get3A_7 = vector.load %arg1[%get3A_5, %get3A_6] : memref<2000x128xf32, #tpu.memory_space<vmem>>, vector<2000x128xf32>
    %get3A_8 = arith.constant 0 : index
    %get3A_9 = arith.constant 0 : index
    %get3A_10 = vector.load %arg4[%get3A_8, %get3A_9] : memref<128x128xf32, #tpu.memory_space<vmem>>, vector<128x128xf32>
    %dot_general3A = arith.constant dense<0.000000e+00> : vector<2000x128xf32>
    %dot_general3A_11 = tpu.matmul %get3A_7, %get3A_10, %dot_general3A {dimension_numbers = #tpu.dot_dimension_numbers<[1], [0], [0], [1], [0, 0, 1, 1], [], []>, transpose_lhs_hint = false} : vector<2000x128xf32>, vector<128x128xf32>, vector<2000x128xf32> -> vector<2000x128xf32>
    %get3A_12 = arith.constant 0 : index
    %get3A_13 = arith.constant 0 : index
    %get3A_14 = vector.load %arg5[%get3A_12, %get3A_13] : memref<128x128xf32, #tpu.memory_space<vmem>>, vector<128x128xf32>
    %dot_general3A_15 = arith.constant dense<0.000000e+00> : vector<2000x128xf32>
    %dot_general3A_16 = tpu.matmul %add3A, %get3A_14, %dot_general3A_15 {dimension_numbers = #tpu.dot_dimension_numbers<[1], [0], [0], [1], [0, 0, 1, 1], [], []>, transpose_lhs_hint = false} : vector<2000x128xf32>, vector<128x128xf32>, vector<2000x128xf32> -> vector<2000x128xf32>
    %add3A_17 = arith.addf %dot_general3A_11, %dot_general3A_16 : vector<2000x128xf32>
    %get3A_18 = arith.constant 0 : index
    %get3A_19 = arith.constant 0 : index
    %get3A_20 = vector.load %arg6[%get3A_18, %get3A_19] : memref<1x128xf32, #tpu.memory_space<vmem>>, vector<1x128xf32>
    %add3A_21 = vector.broadcast %get3A_20 : vector<1x128xf32> to vector<2000x128xf32>
    %add3A_22 = arith.addf %add3A_17, %add3A_21 : vector<2000x128xf32>
    %neg3A = arith.constant 0.000000e+00 : f32
    %neg3A_23 = vector.broadcast %neg3A : f32 to vector<2000x128xf32>
    %neg3A_24 = arith.subf %neg3A_23, %add3A_22 : vector<2000x128xf32>
    %exp3A = math.exp %neg3A_24 : vector<2000x128xf32>
    %add3A_25 = arith.constant 1.000000e+00 : f32
    %add3A_26 = vector.broadcast %add3A_25 : f32 to vector<2000x128xf32>
    %add3A_27 = arith.addf %add3A_26, %exp3A : vector<2000x128xf32>
    %div3A = arith.constant 1.000000e+00 : f32
    %div3A_28 = vector.broadcast %div3A : f32 to vector<2000x128xf32>
    %div3A_29 = arith.divf %div3A_28, %add3A_27 : vector<2000x128xf32>
    %mul3A = arith.mulf %add3A_22, %div3A_29 : vector<2000x128xf32>
    %get3A_30 = arith.constant 0 : index
    %get3A_31 = arith.constant 0 : index
    %get3A_32 = vector.load %arg7[%get3A_30, %get3A_31] : memref<128x128xf32, #tpu.memory_space<vmem>>, vector<128x128xf32>
    %dot_general3A_33 = arith.constant dense<0.000000e+00> : vector<2000x128xf32>
    %dot_general3A_34 = tpu.matmul %mul3A, %get3A_32, %dot_general3A_33 {dimension_numbers = #tpu.dot_dimension_numbers<[1], [0], [0], [1], [0, 0, 1, 1], [], []>, transpose_lhs_hint = false} : vector<2000x128xf32>, vector<128x128xf32>, vector<2000x128xf32> -> vector<2000x128xf32>
    %get3A_35 = arith.constant 0 : index
    %get3A_36 = arith.constant 0 : index
    %get3A_37 = vector.load %arg8[%get3A_35, %get3A_36] : memref<1x128xf32, #tpu.memory_space<vmem>>, vector<1x128xf32>
    %add3A_38 = vector.broadcast %get3A_37 : vector<1x128xf32> to vector<2000x128xf32>
    %add3A_39 = arith.addf %dot_general3A_34, %add3A_38 : vector<2000x128xf32>
    %swap3A = arith.constant 0 : index
    %swap3A_40 = arith.constant 0 : index
    %swap3A_41 = vector.load %arg9[%swap3A, %swap3A_40] : memref<2000x128xf32, #tpu.memory_space<vmem>>, vector<2000x128xf32>
    tpu.vector_store %arg9[%swap3A, %swap3A_40], %add3A_39 {strides = array<i32>} : memref<2000x128xf32, #tpu.memory_space<vmem>>, vector<2000x128xf32>,
    return
  }
  func.func @transform_0(%arg0: i32) -> (i32, i32) {
    %c0_i32 = arith.constant 0 : i32
    %c0_i32_0 = arith.constant 0 : i32
    return %arg0, %c0_i32 : i32, i32
  }
  func.func @transform_1(%arg0: i32) -> (i32, i32) {
    %c0_i32 = arith.constant 0 : i32
    %c0_i32_0 = arith.constant 0 : i32
    return %arg0, %c0_i32 : i32, i32
  }
  func.func @transform_2(%arg0: i32) -> (i32, i32) {
    %add3A = arith.constant 5 : i32
    %add3A_0 = arith.addi %arg0, %add3A : i32
    %c0_i32 = arith.constant 0 : i32
    %c0_i32_1 = arith.constant 0 : i32
    return %add3A_0, %c0_i32 : i32, i32
  }
  func.func @transform_3(%arg0: i32) -> (i32, i32) {
    %c0_i32 = arith.constant 0 : i32
    %c0_i32_0 = arith.constant 0 : i32
    %c0_i32_1 = arith.constant 0 : i32
    return %c0_i32, %c0_i32_0 : i32, i32
  }
  func.func @transform_4(%arg0: i32) -> (i32, i32) {
    %c0_i32 = arith.constant 0 : i32
    %c0_i32_0 = arith.constant 0 : i32
    %c0_i32_1 = arith.constant 0 : i32
    return %c0_i32, %c0_i32_0 : i32, i32
  }
  func.func @transform_5(%arg0: i32) -> (i32, i32) {
    %c0_i32 = arith.constant 0 : i32
    %c0_i32_0 = arith.constant 0 : i32
    %c0_i32_1 = arith.constant 0 : i32
    return %c0_i32, %c0_i32_0 : i32, i32
  }
  func.func @transform_6(%arg0: i32) -> (i32, i32) {
    %c0_i32 = arith.constant 0 : i32
    %c0_i32_0 = arith.constant 0 : i32
    %c0_i32_1 = arith.constant 0 : i32
    return %c0_i32, %c0_i32_0 : i32, i32
  }
  func.func @transform_7(%arg0: i32) -> (i32, i32) {
    %c0_i32 = arith.constant 0 : i32
    %c0_i32_0 = arith.constant 0 : i32
    %c0_i32_1 = arith.constant 0 : i32
    return %c0_i32, %c0_i32_0 : i32, i32
  }
  func.func @transform_8(%arg0: i32) -> (i32, i32) {
    %c0_i32 = arith.constant 0 : i32
    %c0_i32_0 = arith.constant 0 : i32
    return %arg0, %c0_i32 : i32, i32
  }
}

</mosaic_0001>

<sc_bundles>
// kernel: kernel.10.cloned.1.call-start
scs
__scs_entry_jumppad:
0x0: {  	(pc) =	sbr.rel $0x88, $3  }
0x1: {  	(tag) =	ssettag $0x0;
	lr =	simm.s32 $0x1  }
0x2: {  	[smem:$0x3F96] =	sst lr;
	_ =	strace $0xD0000000  }
0x3: {  	_ = 	snop  }
0x4: {  	_ = 	snop  }
0x5: {  	_ = 	snop  }
0x6: {  	_ = 	snop  }
0x7: {  	_ = 	snop  }
__scs_overlays_trampoline_lowered:
0x8: {  	[smem:$0x3FA5] =	sst s0  }
0x9: {  	[smem:$0x3FA6] =	sst s1  }
0xa: {  	[smem:$0x3FA7] =	sst s2  }
0xb: {  	[smem:$0x3FA8] =	sst s3  }
0xc: {  	[smem:$0x3FA9] =	sst s4  }
0xd: {  	[smem:$0x3FAA] =	sst s5  }
0xe: {  	[smem:$0x3FAB] =	sst s6  }
0xf: {  	[smem:$0x3FAC] =	sst s7  }
0x10: {  	[smem:$0x3FAD] =	sst s8  }
0x11: {  	[smem:$0x3FAE] =	sst s9;
	s0 =	simm.s32 @!p0 $0x0  }
0x12: {  	s1 =	sld [smem:$0x3F94];
	s0 =	simm.s32 @p0 $0x1  }
0x13: {  	[smem:$0x3FAF] =	sst s0;
	s0 =	simm.s32 @!p1 $0x0  }
0x14: {  	s2 =	sld [smem:$0x3F93];
	s0 =	simm.s32 @p1 $0x1  }
0x15: {  	[smem:$0x3FB0] =	sst s0;
	s0 =	simm.s32 @!p2 $0x0  }
0x16: {  	s3 =	sld [smem:$0x3FDB];
	s0 =	simm.s32 @p2 $0x1  }
0x17: {  	s4 =	simm.s32 $0x1BF5;
	[smem:$0x3FB2] =	sst s0  }
0x18: {  	s0 =	sld [smem:$0x3F95];
	_ =	swait.ge [sflag:s4], $0x0  }
0x19: {  	s7 =	sld [smem:$0x3F96]  }
0x1a: {  	s8 =	sadd.s32 $0xFFFFE003, lr  }
0x1b: {  	s9 =	sadd.s32 $0xFFFFFEF7, lr;
	s5 =	simm.s32 $0xFFFFFFFF;
	p2 =	slt.u32 s8, $0xFFFFF086  }
0x1c: {  	p1 =	slt.u32 s9, $0xF7A;
	s5 =	simm.s32 @!p2 $0x0  }
0x1d: {  	s5 =	simm.s32 @p1 $0x1;
	p0 =	seq.s32 s7, s2  }
0x1e: {  	s7 =	smul.u32 @!p0 $0xF7A, s2;
	p2 =	seq.s32 @!p0 s5, $0x0  }
0x1f: {  	s9 =	smul.u32 $0xF7A, s1;
	s8 =	simm.s32 @!p0 $0x1BF5;
	p2 =	por !p2, p0  }
0x20: {  	[sflag:s8] =	ssyncset.s32 @!p0 $0xFFFFF086;
	s6 =	sadd.s32 @!p0 s3, s7;
	s7 =	simm.s32 @!p0 $0x108  }
0x21: {  	s3 =	sadd.s32 s3, s9;
	s6 =	sadd.s32 @!p0 $0x88, s6;
	s7 =	simm.s32 @p2 $0x1082  }
0x22: {  	[simem:s7], [sflag:s8] =	dma.local @!p0 [hbm:s6], $0xF7A  }
0x23: {  	s9 =	sor.u32 $0xD0000000, s2;
	s6 =	simm.s32 $0x108;
	_ =	swait.ge @!p0 [sflag:s8], $0x0  }
0x24: {  	s3 =	sadd.s32 $0x88, s3;
	s6 =	simm.s32 @!p1 $0x1082;
	[sflag:s4] =	ssyncset.s32 $0xFFFFF086  }
0x25: {  	[simem:s6], [sflag:s4] =	dma.local [hbm:s3], $0xF7A  }
0x26: {  	[smem:$0x3F96] =	sst s1;
	(tag) =	ssettag s2;
	_ =	strace s9  }
0x27: {  	s1 =	sld [smem:$0x3FA6]  }
0x28: {  	s2 =	sld [smem:$0x3FA7]  }
0x29: {  	s4 =	sld [smem:$0x3FA9]  }
0x2a: {  	p0 =	seq.s32 s5, $0x0;
	s5 =	sld [smem:$0x3FAA]  }
0x2b: {  	s6 =	sld [smem:$0x3FAB]  }
0x2c: {  	s7 =	sld [smem:$0x3FAC]  }
0x2d: {  	s3 =	simm.s32 $0x108;
	s8 =	sld [smem:$0x3FAD]  }
0x2e: {  	s3 =	simm.s32 @!p0 $0x1082;
	s9 =	sld [smem:$0x3FAE]  }
0x2f: {  	lr =	sadd.s32 s0, s3;
	s0 =	sld [smem:$0x3FA5]  }
0x30: {  	s3 =	sld [smem:$0x3FA8]  }
0x31: {  	[smem:$0x3FB1] =	sst s10  }
0x32: {  	s10 =	sld [smem:$0x3FAF];
	_ =	sdelay $0x3  }
0x33: {  	p0 =	seq.s32 s10, $0x1;
	s10 =	sld [smem:$0x3FB1];
	_ =	sdelay $0x3  }
0x34: {  	[smem:$0x3FB1] =	sst s10  }
0x35: {  	s10 =	sld [smem:$0x3FB0];
	_ =	sdelay $0x3  }
0x36: {  	p1 =	seq.s32 s10, $0x1;
	s10 =	sld [smem:$0x3FB1];
	_ =	sdelay $0x3  }
0x37: {  	[smem:$0x3FB1] =	sst s10  }
0x38: {  	s10 =	sld [smem:$0x3FB2]  }
0x39: {  	_ = 	snop;
	(pc) =	sbr.ind lr, $3  }
0x3a: {  	_ = 	snop  }
0x3b: {  	_ = 	snop  }
0x3c: {  	p2 =	seq.s32 s10, $0x1;
	s10 =	sld [smem:$0x3FB1]  }
0x3d: {  	_ =	shalt  }
0x3e: {  	_ =	shalt  }
0x3f: {  	_ =	shalt  }
0x40: {  	_ =	shalt  }
0x41: {  	_ =	shalt  }
0x42: {  	_ =	shalt  }
0x43: {  	_ =	shalt  }
0x44: {  	_ =	shalt  }
0x45: {  	_ =	shalt  }
0x46: {  	_ =	shalt  }
0x47: {  	_ =	shalt  }
0x48: {  	_ =	shalt  }
0x49: {  	_ =	shalt  }
0x4a: {  	_ =	shalt  }
0x4b: {  	_ =	shalt  }
0x4c: {  	_ =	shalt  }
0x4d: {  	_ =	shalt  }
0x4e: {  	_ =	shalt  }
0x4f: {  	_ =	shalt  }
0x50: {  	_ =	shalt  }
0x51: {  	_ =	shalt  }
0x52: {  	_ =	shalt  }
0x53: {  	_ =	shalt  }
0x54: {  	_ =	shalt  }
0x55: {  	_ =	shalt  }
0x56: {  	_ =	shalt  }
0x57: {  	_ =	shalt  }
0x58: {  	_ =	shalt  }
0x59: {  	_ =	shalt  }
0x5a: {  	_ =	shalt  }
0x5b: {  	_ =	shalt  }
0x5c: {  	_ =	shalt  }
0x5d: {  	_ =	shalt  }
0x5e: {  	_ =	shalt  }
0x5f: {  	_ =	shalt  }
0x60: {  	_ =	shalt  }
0x61: {  	_ =	shalt  }
0x62: {  	_ =	shalt  }
0x63: {  	_ =	shalt  }
0x64: {  	_ =	shalt  }
0x65: {  	_ =	shalt  }
0x66: {  	_ =	shalt  }
0x67: {  	_ =	shalt  }
0x68: {  	_ =	shalt  }
0x69: {  	_ =	shalt  }
0x6a: {  	_ =	shalt  }
0x6b: {  	_ =	shalt  }
0x6c: {  	_ =	shalt  }
0x6d: {  	_ =	shalt  }
0x6e: {  	_ =	shalt  }
0x6f: {  	_ =	shalt  }
0x70: {  	_ =	shalt  }
0x71: {  	_ =	shalt  }
0x72: {  	_ =	shalt  }
0x73: {  	_ =	shalt  }
0x74: {  	_ =	shalt  }
0x75: {  	_ =	shalt  }
0x76: {  	_ =	shalt  }
0x77: {  	_ =	shalt  }
0x78: {  	_ =	shalt  }
0x79: {  	_ =	shalt  }
0x7a: {  	_ =	shalt  }
0x7b: {  	_ =	shalt  }
0x7c: {  	_ =	shalt  }
0x7d: {  	_ =	shalt  }
0x7e: {  	_ =	shalt  }
0x7f: {  	_ =	shalt  }
0x80: {  	_ =	shalt  }
0x81: {  	_ =	shalt  }
0x82: {  	_ =	shalt  }
0x83: {  	_ =	shalt  }
0x84: {  	_ =	shalt  }
0x85: {  	_ =	shalt  }
0x86: {  	_ =	shalt  }
0x87: {  	_ =	shalt  }
.Lfunc_end0:
.L_simem_size_0:
called_computation.1_lowered:
.L_overlay_start_0:
0x88: {  	s2 =	sld [smem:$0x3FD9]  }
0x89: {  	s3 =	sld [smem:$0x3FFE];
	_ =	sdelay $0x1  }
0x8a: {  	s1 =	srdreg.scid  }
0x8b: {  	s0 =	sand.u32 $0x1, s1  }
0x8c: {  	s17 =	sshll.u32 s0, $0xA;
	s2 =	sadd.s32 s3, s2  }
0x8d: {  	s2 =	sadd.s32 s2, s17  }
0x8e: {  	[smem:$0x3FBD] =	sst s2  }
0x8f: {  	_ = 	snop  }
0x90: {  	s2 =	sld [smem:$0x3FD0];
	(tm) =	ssettm $0x1  }
0x91: {  	s18 =	sld [smem:$0x3FFB];
	_ =	sdelay $0x3  }
0x92: {  	_ =	strace s18  }
0x93: {  	s3 =	sld [smem:$0x3FFC];
	_ =	sdelay $0x3  }
0x94: {  	_ =	strace s3  }
0x95: {  	s3 =	sld [smem:$0x3FFD];
	_ =	sdelay $0x3  }
0x96: {  	_ =	strace s3  }
0x97: {  	_ =	strace $0x8FFFFFFF  }
0x98: {  	s19 =	sld [smem:$0x3FDB];
	_ =	sdelay $0x1  }
0x99: {  	s4 =	simm.s32 $_scs_section_size  }
0x9a: {  	s5 =	simm.s32 $_size__tile_overlayer_lowered;
	s6 =	simm.s32 $_tile_overlayer_lowered  }
0x9b: {  	s22 =	simm.s32 $0x1BFF;
	s21 =	sshll.u32 s6, $0x1;
	s3 =	sadd.s32 s4, s19  }
0x9c: {  	s7 =	simm.s32 $0x0;
	s20 =	sshll.u32 s5, $0x1;
	s5 =	sadd.s32 s21, s3  }
0x9d: {  	[timem:s7], [sflag:s22] =	dma.local [hbm:s5], s20  }
0x9e: {  	_ =	swait.ge [sflag:s22], s20  }
0x9f: {  	s4 =	ssub.s32 $0x0, s20;
	[sflag:s22] =	ssyncset.done $0x0  }
0xa0: {  	[sflag:s22] =	ssyncadd.s32 s4;
	_ =	sdelay $0x1  }
0xa1: {  	s23 =	simm.s32 $0x1B8B  }
0xa2: {  	_ =	swait.ge [sflag:s23], $0x1  }
0xa3: {  	[sflag:s23] =	ssyncset.done $0x0  }
0xa4: {  	s25 =	simm.s32 $0x1B8E;
	s24 =	sld [smem:$0x3FFE];
	[sflag:s23] =	ssyncadd.s32 $0xFFFFFFFF  }
0xa5: {  	s26 =	simm.s32 $execute0_lowered;
	[smem:$0x3FD2] =	sst s25  }
0xa6: {  	s5 =	sshll.u32 s26, $0x1;
	_ =	strace $0x80000049;
	[dreg:$0x1] =	wrdreg $0xFFFFFFFF  }
0xa7: {  	s28 =	simm.s32 $_size_execute0_lowered;
	s3 =	sadd.s32 s3, s5;
	[dreg:$0x0] =	wrdreg $0x0  }
0xa8: {  	s5 =	sshll.u32 s28, $0x1;
	[dreg:$0x2] =	wrdreg s3  }
0xa9: {  	[dreg:$0x3] =	wrdreg s5  }
0xaa: {  	[dreg:$0x4] =	wrdreg $0xC0  }
0xab: {  	_ =	task [dreg:s7], $0x5FFFF  }
0xac: {  	[dreg:$0x1] =	wrdreg $0xFFFFFFFF  }
0xad: {  	[dreg:$0x0] =	wrdreg $0x60  }
0xae: {  	[dreg:$0x2] =	wrdreg s24  }
0xaf: {  	[dreg:$0x3] =	wrdreg s2  }
0xb0: {  	[dreg:$0x4] =	wrdreg $0x0  }
0xb1: {  	[dreg:$0x5] =	wrdreg $0x9  }
0xb2: {  	_ =	task.clear_ibuf [dreg:s7], $0x6FFFF;
	_ =	strace $0x90000049  }
0xb3: {  	s29 =	simm.s32 $0x9;
	_ =	strace $0x8000004B  }
0xb4: {  	_ =	swait.ge [sflag:s29], $0x1  }
0xb5: {  	[sflag:s29] =	ssyncadd.s32 $0xFFFFFFFF  }
0xb6: {  	_ =	strace $0x9000004B  }
0xb7: {  	_ =	sfence  }
0xb8: {  	s30 =	sld [smem:$0x0];
	_ =	sdelay $0x2  }
0xb9: {  	s31 =	sshll.u32 s1, $0xD;
	s1 =	sshrl.u32 s1, $0x2  }
0xba: {  	s3 =	sand.u32 $0x4000, s31;
	s1 =	sadd.s32 s1, s30  }
0xbb: {  	s0 =	sor.u32 s3, s0;
	s1 =	sshll.u32 s1, $0x11  }
0xbc: {  	s0 =	sor.u32 s1, s0  }
0xbd: {  	s0 =	sadd.s32 $0x8F2B, s0  }
0xbe: {  	[sflag:s0] =	ssyncadd.remote.s32 $0x1  }
0xbf: {  	_ =	sfence.sel $0xFFFF  }
0xc0: {  	[dreg:$0x0] =	wrdreg $0xFFFFFFFF;
	(pc) =	sbr.abs _section_cstart, $3  }
0xc1: {  	[dreg:$0x1] =	wrdreg $0xFFFFFFFF  }
0xc2: {  	_ =	task.clear_ibuf [dreg:s7], $0x2FFFF;
	_ =	strace $0x9FFFFFFF  }
0xc3: {  	(tm) =	ssettm $0x7FFFFFFF  }
tec
execute0_lowered:
.L_overlay_start_1:
0x0: {  	(tag) =	ssettag $0x1  }
0x1: {  	s1 =	rddreg [dreg:$0x0]  }
0x2: {  	s0 =	stileid.u32;
	s3 =	srdreg.scid  }
0x3: {  	s2 =	rddreg [dreg:$0x1];
	s4 =	simm.s32 $0x0;
	s5 =	smul.u32 $0x4E200, s0  }
0x4: {  	s20 =	simm.s32 $0x1;
	s28 =	simm.s32 $0xC8;
	s6 =	smul.u32 $0x4E20, s0  }
0x5: {  	s12 =	sand.u32 $0x1, s3;
	s3 =	rddreg [dreg:$0x2];
	s7 =	smul.u32 $0x4E000, s0  }
0x6: {  	s29 =	simm.s32 $0x0;
	[smem:$0x7FF] =	sst s4;
	s10 =	smul.u32 $0x270, s0  }
0x7: {  	s8 =	sshll.u32 s0, $0x6;
	p0 =	sne.s32 s0, $0xF;
	s9 =	smul.u32 $0x2710, s12  }
0x8: {  	_ =	strace $0x8000004A;
	s26 =	ssub.s32 $0x2, s12;
	s14 =	smul.u32 $0x138800, s12  }
0x9: {  	s17 =	smul.u32 $0x27100, s12;
	s15 =	sadd.s32 s5, s1;
	s30 =	sshrl.u32 s26, $0x1  }
0xa: {  	s7 =	sshrl.u32 s7, $0x2;
	s25 =	sadd.s32 s9, s6;
	s16 =	ssub.s32 s26, s30  }
0xb: {  	s6 =	sor.u32 $0x1C01, s8;
	s10 =	sadd.s32 s10, s9;
	s19 =	sshrl.u32 s14, $0x3  }
0xc: {  	s17 =	sadd.s32 s17, s15;
	s26 =	simm.s32 $0x13880;
	s5 =	sshrl.u32 s25, $0x3  }
0xd: {  	s11 =	sshll.u32 s10, $0x4;
	s10 =	sadd.s32 $0x138000, s3;
	s16 =	smax.u32 s16, $0x1  }
0xe: {  	s17 =	sadd.s32 $0x5AA200, s17;
	s25 =	simm.s32 $0x19C80;
	s18 =	sadd.s32 s5, s1  }
0xf: {  	s1 =	sadd.s32 $0x29600, s1;
	s5 =	sadd.s32 s7, s3;
	s24 =	sshrl.u32 @!p0 s10, $0x3  }
0x10: {  	s7 =	sadd.s32 $0x6400, s5;
	s22 =	sadd.s32 $0xC800, s5;
	s23 =	sadd.s32 $0x12C00, s5  }
0x11: {  	s11 =	sadd.s32 s1, s11;
	s1 =	sadd.s32 s1, s19;
	s18 =	sadd.s32 $0x1F800, s18  }
0x12: {  	s19 =	sshrl.u32 s5, $0x3;
	s31 =	sadd.s32 $0xC80, s11;
	s13 =	sadd.s32 $0x1900, s11  }
0x13: {  	s14 =	sadd.s32 $0x2580, s11;
	s15 =	sadd.s32 $0x27000, s1;
	s8 =	smov.u32 s7  }
0x14: {  	s21 =	sshrl.u32 s7, $0x3;
	s9 =	smov.u32 s22;
	s22 =	sshrl.u32 s22, $0x3  }
0x15: {  	s12 =	smov.u32 s23;
	s23 =	sshrl.u32 s23, $0x3;
	[dreg:$0x4] =	wrdreg s31  }
.LBB2_1:
0x16: {  	[spmem:s19], [sflag:s6] =	dma.local [hbm:s2], $0xC80  }
0x17: {  	_ =	swait.ge [sflag:s20], $0xC80  }
0x18: {  	[sflag:s20] =	ssyncset.done $0x0  }
0x19: {  	[sflag:s20] =	ssyncadd.s32 $0xFFFFF380  }
0x1a: {  	[spmem:s21], [sflag:s6] =	dma.local [hbm:s2], $0xC80  }
0x1b: {  	_ =	swait.ge [sflag:s20], $0xC80  }
0x1c: {  	[sflag:s20] =	ssyncset.done $0x0  }
0x1d: {  	[sflag:s20] =	ssyncadd.s32 $0xFFFFF380  }
0x1e: {  	[spmem:s22], [sflag:s6] =	dma.local [hbm:s2], $0xC80  }
0x1f: {  	_ =	swait.ge [sflag:s20], $0xC80  }
0x20: {  	[sflag:s20] =	ssyncset.done $0x0  }
0x21: {  	[sflag:s20] =	ssyncadd.s32 $0xFFFFF380  }
0x22: {  	[spmem:s23], [sflag:s6] =	dma.local [hbm:s2], $0x180  }
0x23: {  	_ =	swait.ge [sflag:s20], $0x180  }
0x24: {  	[sflag:s20] =	ssyncset.done $0x0  }
0x25: {  	s1 =	simm.s32 @!p0 $0x1;
	[sflag:s20] =	ssyncadd.s32 $0xFFFFFE80  }
0x26: {  	[spmem:s24], [sflag:s6] =	dma.local @!p0 [hbm:s2], $0x100  }
0x27: {  	_ =	swait.ge @!p0 [sflag:s1], $0x100  }
0x28: {  	[sflag:s1] =	ssyncset.done @!p0 $0x0  }
0x29: {  	[sflag:s1] =	ssyncadd.s32 @!p0 $0xFFFFFF00  }
0x2a: {  	s7 =	sadd.s32 $0x0, s18;
	[bflag:$0x0] =	sbarrier.arrive $0xFFFF  }
0x2b: {  	[tilespmem:s25], [sflag:$0x1] =	stream.linear.gather [hbm4b:s7+s4], $0xC8, $0x38;
	[tilespmem:$0x19D80] =	vst v63  }
0x2c: {  	_ =	swait.ge [sflag:s20], $0xC8  }
0x2d: {  	[sflag:s20] =	ssyncset.done $0x0  }
0x2e: {  	[sflag:s20] =	ssyncadd.s32 $0xFFFFFF38  }
0x2f: {  	[tilespmem:s26], [sflag:$0x1] =	stream.linear.gather [hbm4b:s17+s4], $0x6400, $0x38;
	[tilespmem:$0x19D80] =	vst v63  }
0x30: {  	_ =	swait.ge [sflag:s20], $0x6400  }
0x31: {  	[sflag:s20] =	ssyncset.done $0x0  }
0x32: {  	[sflag:s20] =	ssyncadd.s32 $0xFFFF9C00  }
0x33: {  	[spmem:s3] =	stream.indirect.scatter.add.f32 [tilespmem:s26], [sflag:$0x1], $0x80, s25, s28, $0xb8;
	[tilespmem:$0x19D80] =	vst v63  }
0x34: {  	s31 =	simm.s32 $0x19;
	_ =	swait.ge [sflag:s20], $0x6400  }
0x35: {  	s30 =	sadd.s32 $0xC80, s17;
	s1 =	simm.s32 $0x32;
	[sflag:s20] =	ssyncset.done $0x0  }
.LBB2_2:
0x36: {  	s0 =	sadd.s32 s31, s18  }
0x37: {  	[sflag:s20] =	ssyncadd.s32 $0xFFFF9C00;
	s31 =	smov.u32 s1;
	s7 =	sadd.s32 $0x19, s1  }
0x38: {  	[tilespmem:s25], [sflag:$0x1] =	stream.linear.gather [hbm4b:s0+s4], $0xC8, $0x38;
	[tilespmem:$0x19D80] =	vst v63  }
0x39: {  	p1 =	sne.s32 s1, $0x4C9;
	_ =	swait.ge [sflag:s20], $0xC8  }
0x3a: {  	[sflag:s20] =	ssyncset.done $0x0  }
0x3b: {  	[sflag:s20] =	ssyncadd.s32 $0xFFFFFF38  }
0x3c: {  	[tilespmem:s26], [sflag:$0x1] =	stream.linear.gather [hbm4b:s30+s4], $0x6400, $0x38;
	[tilespmem:$0x19D80] =	vst v63  }
0x3d: {  	_ =	swait.ge [sflag:s20], $0x6400  }
.Ltmp0:
0x3e: {  	[sflag:s20] =	ssyncset.done $0x0;
	(pc) =	sbr.rel @p1 .LBB2_2-.Ltmp0, $4  }
0x3f: {  	[sflag:s20] =	ssyncadd.s32 $0xFFFF9C00  }
0x40: {  	[spmem:s3] =	stream.indirect.scatter.add.f32 [tilespmem:s26], [sflag:$0x1], $0x80, s25, s28, $0xb8;
	[tilespmem:$0x19D80] =	vst v63  }
0x41: {  	_ =	swait.ge [sflag:s20], $0x6400  }
0x42: {  	s1 =	smov.u32 s7;
	s30 =	sadd.s32 $0xC80, s30;
	[sflag:s20] =	ssyncset.done $0x0  }
0x43: {  	s0 =	sadd.s32 s31, s18;
	[sflag:s20] =	ssyncadd.s32 $0xFFFF9C00  }
0x44: {  	[tilespmem:s25], [sflag:$0x1] =	stream.linear.gather [hbm4b:s0+s4], $0xC8, $0x38;
	[tilespmem:$0x19D80] =	vst v63  }
0x45: {  	_ =	swait.ge [sflag:s20], $0xC8  }
0x46: {  	[sflag:s20] =	ssyncset.done $0x0  }
0x47: {  	[sflag:s20] =	ssyncadd.s32 $0xFFFFFF38  }
0x48: {  	[tilespmem:s26], [sflag:$0x1] =	stream.linear.gather [hbm4b:s30+s4], $0x6400, $0x38;
	[tilespmem:$0x19D80] =	vst v63  }
0x49: {  	_ =	swait.ge [sflag:s20], $0x6400  }
0x4a: {  	[sflag:s20] =	ssyncset.done $0x0  }
0x4b: {  	[sflag:s20] =	ssyncadd.s32 $0xFFFF9C00  }
0x4c: {  	[spmem:s3] =	stream.indirect.scatter.add.f32 [tilespmem:s26], [sflag:$0x1], $0x80, s25, s28, $0xb8;
	[tilespmem:$0x19D80] =	vst v63  }
0x4d: {  	_ =	swait.ge [sflag:s20], $0x6400  }
0x4e: {  	[sflag:s20] =	ssyncset.done $0x0  }
0x4f: {  	[sflag:s20] =	ssyncadd.s32 $0xFFFF9C00  }
0x50: {  	[bflag:$0x0] =	sbarrier.arrive $0xFFFF  }
0x51: {  	[tilespmem:s26], [sflag:$0x1] =	stream.linear.gather [spmem:s5], $0x6400, $0x38;
	[tilespmem:$0x19D80] =	vst v63  }
0x52: {  	_ =	swait.ge [sflag:s20], $0x6400  }
0x53: {  	[sflag:s20] =	ssyncset.done $0x0  }
0x54: {  	[sflag:s20] =	ssyncadd.s32 $0xFFFF9C00  }
0x55: {  	[hbm4b:s11+s4] =	stream.linear.scatter [tilespmem:s26], [sflag:$0x1], $0x6400, $0x38;
	[tilespmem:$0x19D80] =	vst v63  }
0x56: {  	_ =	swait.ge [sflag:s20], $0x6400  }
0x57: {  	[sflag:s20] =	ssyncset.done $0x0  }
0x58: {  	[sflag:s20] =	ssyncadd.s32 $0xFFFF9C00  }
0x59: {  	[tilespmem:s26], [sflag:$0x1] =	stream.linear.gather [spmem:s8], $0x6400, $0x38;
	[tilespmem:$0x19D80] =	vst v63  }
0x5a: {  	_ =	swait.ge [sflag:s20], $0x6400  }
0x5b: {  	[sflag:s20] =	ssyncset.done $0x0  }
0x5c: {  	s31 =	rddreg [dreg:$0x4];
	[sflag:s20] =	ssyncadd.s32 $0xFFFF9C00  }
0x5d: {  	[hbm4b:s31+s4] =	stream.linear.scatter [tilespmem:s26], [sflag:$0x1], $0x6400, $0x38;
	[tilespmem:$0x19D80] =	vst v63  }
0x5e: {  	_ =	swait.ge [sflag:s20], $0x6400  }
0x5f: {  	[sflag:s20] =	ssyncset.done $0x0  }
0x60: {  	[sflag:s20] =	ssyncadd.s32 $0xFFFF9C00  }
0x61: {  	[tilespmem:s26], [sflag:$0x1] =	stream.linear.gather [spmem:s9], $0x6400, $0x38;
	[tilespmem:$0x19D80] =	vst v63  }
0x62: {  	_ =	swait.ge [sflag:s20], $0x6400  }
0x63: {  	[sflag:s20] =	ssyncset.done $0x0  }
0x64: {  	[sflag:s20] =	ssyncadd.s32 $0xFFFF9C00  }
0x65: {  	[hbm4b:s13+s4] =	stream.linear.scatter [tilespmem:s26], [sflag:$0x1], $0x6400, $0x38;
	[tilespmem:$0x19D80] =	vst v63  }
0x66: {  	_ =	swait.ge [sflag:s20], $0x6400  }
0x67: {  	[sflag:s20] =	ssyncset.done $0x0  }
0x68: {  	[sflag:s20] =	ssyncadd.s32 $0xFFFF9C00  }
0x69: {  	[tilespmem:s26], [sflag:$0x1] =	stream.linear.gather [spmem:s12], $0xC00, $0x38;
	[tilespmem:$0x19D80] =	vst v63  }
0x6a: {  	_ =	swait.ge [sflag:s20], $0xC00  }
0x6b: {  	[sflag:s20] =	ssyncset.done $0x0  }
0x6c: {  	[sflag:s20] =	ssyncadd.s32 $0xFFFFF400  }
0x6d: {  	[hbm4b:s14+s4] =	stream.linear.scatter [tilespmem:s26], [sflag:$0x1], $0xC00, $0x38;
	[tilespmem:$0x19D80] =	vst v63  }
0x6e: {  	_ =	swait.ge [sflag:s20], $0xC00  }
0x6f: {  	[sflag:s20] =	ssyncset.done $0x0  }
0x70: {  	s1 =	simm.s32 @!p0 $0x1;
	s0 =	simm.s32 @!p0 $0x13880;
	[sflag:s20] =	ssyncadd.s32 $0xFFFFF400  }
0x71: {  	[tilespmem:s0], [sflag:$0x1] =	stream.linear.gather @!p0 [spmem:s10], $0x800, $0x38;
	[tilespmem:$0x19D80] =	vst v63  }
0x72: {  	s29 =	sadd.s32 $0x1, s29;
	_ =	swait.ge @!p0 [sflag:s1], $0x800  }
0x73: {  	p1 =	sne.s32 s29, s16;
	[sflag:s1] =	ssyncset.done @!p0 $0x0  }
.Ltmp1:
0x74: {  	s7 =	simm.s32 @!p0 $0x0;
	[sflag:s1] =	ssyncadd.s32 @!p0 $0xFFFFF800;
	(pc) =	sbr.rel @p1 .LBB2_1-.Ltmp1, $4  }
0x75: {  	[hbm4b:s15+s7] =	stream.linear.scatter @!p0 [tilespmem:s0], [sflag:$0x1], $0x800, $0x38;
	[tilespmem:$0x19D80] =	vst v63  }
0x76: {  	_ =	swait.ge @!p0 [sflag:s1], $0x800  }
0x77: {  	[sflag:s1] =	ssyncset.done @!p0 $0x0  }
0x78: {  	[sflag:s1] =	ssyncadd.s32 @!p0 $0xFFFFF800  }
0x79: {  	_ =	sfence.sel $0x180000  }
0x7a: {  	[bflag:$0x0] =	sbarrier.arrive $0xFFFF  }
0x7b: {  	_ =	strace $0x9000004A  }
0x7c: {  	s0 =	stileid.u32;
	[bflag:$0x2] =	sbarrier.arrive $0xFFFF  }
0x7d: {  	p0 =	sne.s32 s0, $0x0;
	s0 =	rddreg [dreg:$0x3]  }
0x7e: {  	s0 =	sadd.s32 @!p0 $0x100000, s0  }
0x7f: {  	[sflag:s0] =	ssyncadd.tile.s32 @!p0 $0x1;
	_ =	shalt  }
.Lfunc_end2:
_tile_overlayer_lowered:
.L_overlay_start_2:
0x80: {  	(tag) =	ssettag $0x2  }
0x81: {  	s0 =	rddreg [dreg:$0x0];
	s2 =	stileid.u32  }
0x82: {  	s1 =	rddreg [dreg:$0x1];
	p0 =	sne.s32 s2, $0x0  }
0x83: {  	s3 =	rddreg [dreg:$0x2];
	[bflag:$0x3] =	sbarrier.arrive $0xFFFF;
	s2 =	simm.s32 @!p0 $0x1C01  }
0x84: {  	[timem:s3], [sflag:s2] =	dma.local @!p0 [hbm:s0], s1  }
0x85: {  	s0 =	simm.s32 @!p0 $0x1  }
0x86: {  	_ =	swait.ge @!p0 [sflag:s0], s1  }
0x87: {  	s1 =	ssub.s32 @!p0 $0x0, s1;
	[sflag:s0] =	ssyncset.done @!p0 $0x0  }
0x88: {  	[sflag:s0] =	ssyncadd.s32 @!p0 s1  }
0x89: {  	[bflag:$0x3] =	sbarrier.arrive $0xFFFF  }
0x8a: {  	_ =	shalt  }

// kernel: kernel.7.cloned.1.call-start
scs
__scs_entry_jumppad:
0x0: {  	(pc) =	sbr.rel $0x88, $3  }
0x1: {  	(tag) =	ssettag $0x0;
	lr =	simm.s32 $0x1  }
0x2: {  	[smem:$0x3F96] =	sst lr;
	_ =	strace $0xD0000000  }
0x3: {  	_ = 	snop  }
0x4: {  	_ = 	snop  }
0x5: {  	_ = 	snop  }
0x6: {  	_ = 	snop  }
0x7: {  	_ = 	snop  }
__scs_overlays_trampoline_lowered:
0x8: {  	[smem:$0x3FA5] =	sst s0  }
0x9: {  	[smem:$0x3FA6] =	sst s1  }
0xa: {  	[smem:$0x3FA7] =	sst s2  }
0xb: {  	[smem:$0x3FA8] =	sst s3  }
0xc: {  	[smem:$0x3FA9] =	sst s4  }
0xd: {  	[smem:$0x3FAA] =	sst s5  }
0xe: {  	[smem:$0x3FAB] =	sst s6  }
0xf: {  	[smem:$0x3FAC] =	sst s7  }
0x10: {  	[smem:$0x3FAD] =	sst s8  }
0x11: {  	[smem:$0x3FAE] =	sst s9;
	s0 =	simm.s32 @!p0 $0x0  }
0x12: {  	s1 =	sld [smem:$0x3F94];
	s0 =	simm.s32 @p0 $0x1  }
0x13: {  	[smem:$0x3FAF] =	sst s0;
	s0 =	simm.s32 @!p1 $0x0  }
0x14: {  	s2 =	sld [smem:$0x3F93];
	s0 =	simm.s32 @p1 $0x1  }
0x15: {  	[smem:$0x3FB0] =	sst s0;
	s0 =	simm.s32 @!p2 $0x0  }
0x16: {  	s3 =	sld [smem:$0x3FDB];
	s0 =	simm.s32 @p2 $0x1  }
0x17: {  	s4 =	simm.s32 $0x1BF5;
	[smem:$0x3FB2] =	sst s0  }
0x18: {  	s0 =	sld [smem:$0x3F95];
	_ =	swait.ge [sflag:s4], $0x0  }
0x19: {  	s7 =	sld [smem:$0x3F96]  }
0x1a: {  	s8 =	sadd.s32 $0xFFFFE003, lr  }
0x1b: {  	s9 =	sadd.s32 $0xFFFFFEF7, lr;
	s5 =	simm.s32 $0xFFFFFFFF;
	p2 =	slt.u32 s8, $0xFFFFF086  }
0x1c: {  	p1 =	slt.u32 s9, $0xF7A;
	s5 =	simm.s32 @!p2 $0x0  }
0x1d: {  	s5 =	simm.s32 @p1 $0x1;
	p0 =	seq.s32 s7, s2  }
0x1e: {  	s7 =	smul.u32 @!p0 $0xF7A, s2;
	p2 =	seq.s32 @!p0 s5, $0x0  }
0x1f: {  	s9 =	smul.u32 $0xF7A, s1;
	s8 =	simm.s32 @!p0 $0x1BF5;
	p2 =	por !p2, p0  }
0x20: {  	[sflag:s8] =	ssyncset.s32 @!p0 $0xFFFFF086;
	s6 =	sadd.s32 @!p0 s3, s7;
	s7 =	simm.s32 @!p0 $0x108  }
0x21: {  	s3 =	sadd.s32 s3, s9;
	s6 =	sadd.s32 @!p0 $0x88, s6;
	s7 =	simm.s32 @p2 $0x1082  }
0x22: {  	[simem:s7], [sflag:s8] =	dma.local @!p0 [hbm:s6], $0xF7A  }
0x23: {  	s9 =	sor.u32 $0xD0000000, s2;
	s6 =	simm.s32 $0x108;
	_ =	swait.ge @!p0 [sflag:s8], $0x0  }
0x24: {  	s3 =	sadd.s32 $0x88, s3;
	s6 =	simm.s32 @!p1 $0x1082;
	[sflag:s4] =	ssyncset.s32 $0xFFFFF086  }
0x25: {  	[simem:s6], [sflag:s4] =	dma.local [hbm:s3], $0xF7A  }
0x26: {  	[smem:$0x3F96] =	sst s1;
	(tag) =	ssettag s2;
	_ =	strace s9  }
0x27: {  	s1 =	sld [smem:$0x3FA6]  }
0x28: {  	s2 =	sld [smem:$0x3FA7]  }
0x29: {  	s4 =	sld [smem:$0x3FA9]  }
0x2a: {  	p0 =	seq.s32 s5, $0x0;
	s5 =	sld [smem:$0x3FAA]  }
0x2b: {  	s6 =	sld [smem:$0x3FAB]  }
0x2c: {  	s7 =	sld [smem:$0x3FAC]  }
0x2d: {  	s3 =	simm.s32 $0x108;
	s8 =	sld [smem:$0x3FAD]  }
0x2e: {  	s3 =	simm.s32 @!p0 $0x1082;
	s9 =	sld [smem:$0x3FAE]  }
0x2f: {  	lr =	sadd.s32 s0, s3;
	s0 =	sld [smem:$0x3FA5]  }
0x30: {  	s3 =	sld [smem:$0x3FA8]  }
0x31: {  	[smem:$0x3FB1] =	sst s10  }
0x32: {  	s10 =	sld [smem:$0x3FAF];
	_ =	sdelay $0x3  }
0x33: {  	p0 =	seq.s32 s10, $0x1;
	s10 =	sld [smem:$0x3FB1];
	_ =	sdelay $0x3  }
0x34: {  	[smem:$0x3FB1] =	sst s10  }
0x35: {  	s10 =	sld [smem:$0x3FB0];
	_ =	sdelay $0x3  }
0x36: {  	p1 =	seq.s32 s10, $0x1;
	s10 =	sld [smem:$0x3FB1];
	_ =	sdelay $0x3  }
0x37: {  	[smem:$0x3FB1] =	sst s10  }
0x38: {  	s10 =	sld [smem:$0x3FB2]  }
0x39: {  	_ = 	snop;
	(pc) =	sbr.ind lr, $3  }
0x3a: {  	_ = 	snop  }
0x3b: {  	_ = 	snop  }
0x3c: {  	p2 =	seq.s32 s10, $0x1;
	s10 =	sld [smem:$0x3FB1]  }
0x3d: {  	_ =	shalt  }
0x3e: {  	_ =	shalt  }
0x3f: {  	_ =	shalt  }
0x40: {  	_ =	shalt  }
0x41: {  	_ =	shalt  }
0x42: {  	_ =	shalt  }
0x43: {  	_ =	shalt  }
0x44: {  	_ =	shalt  }
0x45: {  	_ =	shalt  }
0x46: {  	_ =	shalt  }
0x47: {  	_ =	shalt  }
0x48: {  	_ =	shalt  }
0x49: {  	_ =	shalt  }
0x4a: {  	_ =	shalt  }
0x4b: {  	_ =	shalt  }
0x4c: {  	_ =	shalt  }
0x4d: {  	_ =	shalt  }
0x4e: {  	_ =	shalt  }
0x4f: {  	_ =	shalt  }
0x50: {  	_ =	shalt  }
0x51: {  	_ =	shalt  }
0x52: {  	_ =	shalt  }
0x53: {  	_ =	shalt  }
0x54: {  	_ =	shalt  }
0x55: {  	_ =	shalt  }
0x56: {  	_ =	shalt  }
0x57: {  	_ =	shalt  }
0x58: {  	_ =	shalt  }
0x59: {  	_ =	shalt  }
0x5a: {  	_ =	shalt  }
0x5b: {  	_ =	shalt  }
0x5c: {  	_ =	shalt  }
0x5d: {  	_ =	shalt  }
0x5e: {  	_ =	shalt  }
0x5f: {  	_ =	shalt  }
0x60: {  	_ =	shalt  }
0x61: {  	_ =	shalt  }
0x62: {  	_ =	shalt  }
0x63: {  	_ =	shalt  }
0x64: {  	_ =	shalt  }
0x65: {  	_ =	shalt  }
0x66: {  	_ =	shalt  }
0x67: {  	_ =	shalt  }
0x68: {  	_ =	shalt  }
0x69: {  	_ =	shalt  }
0x6a: {  	_ =	shalt  }
0x6b: {  	_ =	shalt  }
0x6c: {  	_ =	shalt  }
0x6d: {  	_ =	shalt  }
0x6e: {  	_ =	shalt  }
0x6f: {  	_ =	shalt  }
0x70: {  	_ =	shalt  }
0x71: {  	_ =	shalt  }
0x72: {  	_ =	shalt  }
0x73: {  	_ =	shalt  }
0x74: {  	_ =	shalt  }
0x75: {  	_ =	shalt  }
0x76: {  	_ =	shalt  }
0x77: {  	_ =	shalt  }
0x78: {  	_ =	shalt  }
0x79: {  	_ =	shalt  }
0x7a: {  	_ =	shalt  }
0x7b: {  	_ =	shalt  }
0x7c: {  	_ =	shalt  }
0x7d: {  	_ =	shalt  }
0x7e: {  	_ =	shalt  }
0x7f: {  	_ =	shalt  }
0x80: {  	_ =	shalt  }
0x81: {  	_ =	shalt  }
0x82: {  	_ =	shalt  }
0x83: {  	_ =	shalt  }
0x84: {  	_ =	shalt  }
0x85: {  	_ =	shalt  }
0x86: {  	_ =	shalt  }
0x87: {  	_ =	shalt  }
.Lfunc_end0:
.L_simem_size_0:
called_computation_lowered:
.L_overlay_start_0:
0x88: {  	s2 =	sld [smem:$0x3FD9]  }
0x89: {  	s3 =	sld [smem:$0x3FFE];
	_ =	sdelay $0x1  }
0x8a: {  	s1 =	srdreg.scid  }
0x8b: {  	s0 =	sand.u32 $0x1, s1  }
0x8c: {  	s17 =	sshll.u32 s0, $0xA;
	s2 =	sadd.s32 s3, s2  }
0x8d: {  	s2 =	sadd.s32 s2, s17  }
0x8e: {  	[smem:$0x3FBD] =	sst s2  }
0x8f: {  	_ = 	snop  }
0x90: {  	s2 =	sld [smem:$0x3FD0];
	(tm) =	ssettm $0x1  }
0x91: {  	s18 =	sld [smem:$0x3FFB];
	_ =	sdelay $0x3  }
0x92: {  	_ =	strace s18  }
0x93: {  	s3 =	sld [smem:$0x3FFC];
	_ =	sdelay $0x3  }
0x94: {  	_ =	strace s3  }
0x95: {  	s3 =	sld [smem:$0x3FFD];
	_ =	sdelay $0x3  }
0x96: {  	_ =	strace s3  }
0x97: {  	_ =	strace $0x8FFFFFFF  }
0x98: {  	s19 =	sld [smem:$0x3FDB];
	_ =	sdelay $0x1  }
0x99: {  	s4 =	simm.s32 $_scs_section_size  }
0x9a: {  	s5 =	simm.s32 $_size__tile_overlayer_lowered;
	s6 =	simm.s32 $_tile_overlayer_lowered  }
0x9b: {  	s22 =	simm.s32 $0x1BFF;
	s21 =	sshll.u32 s6, $0x1;
	s3 =	sadd.s32 s4, s19  }
0x9c: {  	s7 =	simm.s32 $0x0;
	s20 =	sshll.u32 s5, $0x1;
	s5 =	sadd.s32 s21, s3  }
0x9d: {  	[timem:s7], [sflag:s22] =	dma.local [hbm:s5], s20  }
0x9e: {  	_ =	swait.ge [sflag:s22], s20  }
0x9f: {  	s4 =	ssub.s32 $0x0, s20;
	[sflag:s22] =	ssyncset.done $0x0  }
0xa0: {  	[sflag:s22] =	ssyncadd.s32 s4;
	_ =	sdelay $0x1  }
0xa1: {  	s23 =	simm.s32 $0x1B8B  }
0xa2: {  	_ =	swait.ge [sflag:s23], $0x1  }
0xa3: {  	[sflag:s23] =	ssyncset.done $0x0  }
0xa4: {  	s25 =	simm.s32 $0x1B8E;
	s24 =	sld [smem:$0x3FFE];
	[sflag:s23] =	ssyncadd.s32 $0xFFFFFFFF  }
0xa5: {  	s26 =	simm.s32 $execute0_lowered;
	[smem:$0x3FD2] =	sst s25  }
0xa6: {  	s5 =	sshll.u32 s26, $0x1;
	_ =	strace $0x80000046;
	[dreg:$0x1] =	wrdreg $0xFFFFFFFF  }
0xa7: {  	s28 =	simm.s32 $_size_execute0_lowered;
	s3 =	sadd.s32 s3, s5;
	[dreg:$0x0] =	wrdreg $0x0  }
0xa8: {  	s5 =	sshll.u32 s28, $0x1;
	[dreg:$0x2] =	wrdreg s3  }
0xa9: {  	[dreg:$0x3] =	wrdreg s5  }
0xaa: {  	[dreg:$0x4] =	wrdreg $0xC0  }
0xab: {  	_ =	task [dreg:s7], $0x5FFFF  }
0xac: {  	[dreg:$0x1] =	wrdreg $0xFFFFFFFF  }
0xad: {  	[dreg:$0x0] =	wrdreg $0x60  }
0xae: {  	[dreg:$0x2] =	wrdreg s2  }
0xaf: {  	[dreg:$0x3] =	wrdreg s24  }
0xb0: {  	[dreg:$0x4] =	wrdreg $0x9  }
0xb1: {  	_ =	task.clear_ibuf [dreg:s7], $0x5FFFF;
	_ =	strace $0x90000046  }
0xb2: {  	s29 =	simm.s32 $0x9;
	_ =	strace $0x80000048  }
0xb3: {  	_ =	swait.ge [sflag:s29], $0x1  }
0xb4: {  	[sflag:s29] =	ssyncadd.s32 $0xFFFFFFFF  }
0xb5: {  	_ =	strace $0x90000048  }
0xb6: {  	_ =	sfence  }
0xb7: {  	s30 =	sld [smem:$0x0];
	_ =	sdelay $0x2  }
0xb8: {  	s31 =	sshll.u32 s1, $0xD;
	s1 =	sshrl.u32 s1, $0x2  }
0xb9: {  	s3 =	sand.u32 $0x4000, s31;
	s1 =	sadd.s32 s1, s30  }
0xba: {  	s0 =	sor.u32 s3, s0;
	s1 =	sshll.u32 s1, $0x11  }
0xbb: {  	s0 =	sor.u32 s1, s0  }
0xbc: {  	s0 =	sadd.s32 $0x8F2B, s0  }
0xbd: {  	[sflag:s0] =	ssyncadd.remote.s32 $0x1  }
0xbe: {  	_ =	sfence.sel $0xFFFF  }
0xbf: {  	[dreg:$0x0] =	wrdreg $0xFFFFFFFF;
	(pc) =	sbr.abs _section_cstart, $3  }
0xc0: {  	[dreg:$0x1] =	wrdreg $0xFFFFFFFF  }
0xc1: {  	_ =	task.clear_ibuf [dreg:s7], $0x2FFFF;
	_ =	strace $0x9FFFFFFF  }
0xc2: {  	(tm) =	ssettm $0x7FFFFFFF  }
0xc3: {  	_ =	shalt  }
tec
execute0_lowered:
.L_overlay_start_1:
0x0: {  	(tag) =	ssettag $0x1  }
0x1: {  	s1 =	rddreg [dreg:$0x0]  }
0x2: {  	s0 =	rddreg [dreg:$0x1];
	s3 =	simm.s32 $0x0  }
0x3: {  	s2 =	srdreg.scid;
	s26 =	stileid.u32;
	s19 =	simm.s32 $0x5  }
0x4: {  	s20 =	simm.s32 $0x180;
	s28 =	simm.s32 $0x3;
	s29 =	simm.s32 $0x4  }
0x5: {  	s30 =	simm.s32 $0x0;
	[smem:$0x7FF] =	sst s3;
	s2 =	sand.u32 $0x1, s2  }
0x6: {  	s4 =	sshll.u32 s26, $0x1;
	s8 =	sadd.s32 $0x15A00, s0;
	s15 =	sadd.s32 $0x1F800, s0  }
0x7: {  	s5 =	sadd.s32 $0x29600, s0;
	s16 =	sadd.s32 $0xC8200, s0;
	s17 =	sadd.s32 $0x339200, s0  }
0x8: {  	s13 =	sadd.s32 $0x2BE00, s0;
	s14 =	smul.u32 $0x9C, s26;
	p0 =	sgt.u32 s26, $0x1  }
0x9: {  	s26 =	simm.s32 $0x2;
	_ =	strace $0x80000047;
	s6 =	sor.u32 s2, s4  }
0xa: {  	s4 =	sadd.s32 $0x2000, s0;
	s9 =	ssub.s32 $0x2, s2;
	s2 =	smul.u32 $0x4E, s2  }
0xb: {  	s0 =	sadd.s32 $0x7A000, s0;
	s7 =	smul.u32 $0x4E, s6;
	s10 =	sshrl.u32 s9, $0x1  }
0xc: {  	s6 =	smin.u32 s6, $0x4;
	s12 =	ssub.s32 s9, s10;
	s18 =	sadd.s32 s2, s14  }
0xd: {  	s7 =	sadd.s32 s6, s7;
	s25 =	sadd.s32 s6, s18;
	s12 =	smax.u32 s12, $0x1  }
0xe: {  	s6 =	sadd.s32 s14, s6;
	s7 =	sshll.u32 s7, $0x7;
	s18 =	sshll.u32 s25, $0x7  }
0xf: {  	s2 =	sadd.s32 s2, s6;
	s7 =	sadd.s32 $0x2700, s7;
	s14 =	sadd.s32 s18, s0  }
0x10: {  	s31 =	sshll.u32 s2, $0x4;
	s21 =	sshll.u32 s7, $0x3;
	s22 =	sshrl.u32 s7, $0x3  }
0x11: {  	s7 =	sand.u32 $0x1FFFFF80, s7;
	s9 =	sand.u32 $0x1FFFFC00, s21;
	s11 =	sadd.s32 s8, s22  }
0x12: {  	s10 =	sadd.s32 s15, s22;
	s24 =	sadd.s32 s13, s7;
	s13 =	sadd.s32 s18, s13  }
0x13: {  	s18 =	sadd.s32 s31, s8;
	s21 =	simm.s32 $0x300;
	[dreg:$0x3] =	wrdreg s11  }
0x14: {  	s22 =	simm.s32 $0x6300;
	[dreg:$0x4] =	wrdreg s10;
	s23 =	sadd.s32 s16, s9  }
0x15: {  	s9 =	sadd.s32 s17, s9;
	[dreg:$0x7] =	wrdreg s24;
	s11 =	sadd.s32 s0, s7  }
0x16: {  	s7 =	sshll.u32 s25, $0xA;
	s24 =	simm.s32 $0xCF00;
	[dreg:$0x5] =	wrdreg s23  }
0x17: {  	s25 =	simm.s32 $0x1;
	[dreg:$0x6] =	wrdreg s9;
	s6 =	sadd.s32 s7, s16  }
0x18: {  	s7 =	sadd.s32 s7, s17;
	s17 =	sadd.s32 s31, s15;
	s23 =	simm.s32 $0xC300  }
.LBB2_1:
0x19: {  	[tilespmem:s3], [sflag:$0x5] =	stream.linear.gather [hbm4b:s18+s3], $0x180, $0x38;
	[tilespmem:$0xDB00] =	vst v63  }
0x1a: {  	_ =	swait.ge [sflag:s19], $0x180  }
0x1b: {  	[sflag:s19] =	ssyncset.done $0x0  }
0x1c: {  	[sflag:s19] =	ssyncadd.s32 $0xFFFFFE80  }
0x1d: {  	[tilespmem:s20], [sflag:$0x5] =	stream.linear.gather [hbm4b:s17+s3], $0x180, $0x38;
	[tilespmem:$0xDB00] =	vst v63  }
0x1e: {  	_ =	swait.ge [sflag:s19], $0x180  }
0x1f: {  	[sflag:s19] =	ssyncset.done $0x0  }
0x20: {  	[sflag:s19] =	ssyncadd.s32 $0xFFFFFE80  }
0x21: {  	[tilespmem:s21], [sflag:$0x1] =	stream.indirect.gather [hbm4b:s1+s20], $0x40, s3, s20, $0xb8;
	[tilespmem:$0xDB00] =	vst v63  }
0x22: {  	_ = 	snop  }
0x23: {  	[tilespmem:s22], [sflag:$0x2] =	stream.indirect.gather [hbm4b:s4+s20], $0x40, s20, s20, $0xb8;
	[tilespmem:$0xDB00] =	vst v63  }
0x24: {  	_ = 	snop  }
0x25: {  	[tilespmem:s23], [sflag:$0x3] =	stream.indirect.gather [hbm4b:s5+s20], $0x8, s3, s20, $0xb8;
	[tilespmem:$0xDB00] =	vst v63  }
0x26: {  	_ = 	snop  }
0x27: {  	[tilespmem:s24], [sflag:$0x4] =	stream.indirect.gather [hbm4b:s5+s20], $0x8, s20, s20, $0xb8;
	[tilespmem:$0xDB00] =	vst v63  }
0x28: {  	_ =	swait.ge [sflag:s25], $0x6000  }
0x29: {  	[sflag:s25] =	ssyncset.done $0x0  }
0x2a: {  	[sflag:s25] =	ssyncadd.s32 $0xFFFFA000  }
0x2b: {  	[hbm4b:s6+s3] =	stream.linear.scatter [tilespmem:s21], [sflag:$0x5], $0x6000, $0x38;
	[tilespmem:$0xDB00] =	vst v63  }
0x2c: {  	_ =	swait.ge [sflag:s19], $0x6000  }
0x2d: {  	[sflag:s19] =	ssyncset.done $0x0  }
0x2e: {  	[sflag:s19] =	ssyncadd.s32 $0xFFFFA000  }
0x2f: {  	_ =	swait.ge [sflag:s26], $0x6000  }
0x30: {  	[sflag:s26] =	ssyncset.done $0x0  }
0x31: {  	[sflag:s26] =	ssyncadd.s32 $0xFFFFA000  }
0x32: {  	[hbm4b:s7+s3] =	stream.linear.scatter [tilespmem:s22], [sflag:$0x5], $0x6000, $0x38;
	[tilespmem:$0xDB00] =	vst v63  }
0x33: {  	_ =	swait.ge [sflag:s19], $0x6000  }
0x34: {  	[sflag:s19] =	ssyncset.done $0x0  }
0x35: {  	[sflag:s19] =	ssyncadd.s32 $0xFFFFA000  }
0x36: {  	_ =	swait.ge [sflag:s28], $0xC00  }
0x37: {  	[sflag:s28] =	ssyncset.done $0x0  }
0x38: {  	s0 =	sadd.s32 $0x0, s13;
	[sflag:s28] =	ssyncadd.s32 $0xFFFFF400  }
0x39: {  	[hbm4b:s0+s3] =	stream.linear.scatter [tilespmem:s23], [sflag:$0x5], $0xC00, $0x38;
	[tilespmem:$0xDB00] =	vst v63  }
0x3a: {  	_ =	swait.ge [sflag:s19], $0xC00  }
0x3b: {  	[sflag:s19] =	ssyncset.done $0x0  }
0x3c: {  	[sflag:s19] =	ssyncadd.s32 $0xFFFFF400  }
0x3d: {  	_ =	swait.ge [sflag:s29], $0xC00  }
0x3e: {  	[sflag:s29] =	ssyncset.done $0x0  }
0x3f: {  	s16 =	sadd.s32 $0x0, s14;
	s31 =	simm.s32 $0x180;
	[sflag:s29] =	ssyncadd.s32 $0xFFFFF400  }
0x40: {  	[hbm4b:s16+s3] =	stream.linear.scatter [tilespmem:s24], [sflag:$0x5], $0xC00, $0x38;
	[tilespmem:$0xDB00] =	vst v63  }
0x41: {  	s2 =	sadd.s32 $0x30, s18;
	s15 =	smov.u32 s6;
	_ =	swait.ge [sflag:s19], $0xC00  }
0x42: {  	s0 =	sadd.s32 $0x30, s17;
	s16 =	smov.u32 s7;
	[sflag:s19] =	ssyncset.done $0x0  }
.LBB2_2:
0x43: {  	[sflag:s19] =	ssyncadd.s32 $0xFFFFF400  }
0x44: {  	s15 =	sadd.s32 $0xC00, s15;
	s16 =	sadd.s32 $0xC00, s16;
	s8 =	smov.u32 s31  }
0x45: {  	[tilespmem:s3], [sflag:$0x5] =	stream.linear.gather [hbm4b:s2+s3], $0x180, $0x38;
	[tilespmem:$0xDB00] =	vst v63  }
0x46: {  	p1 =	sne.s32 s31, $0x2580;
	s31 =	sadd.s32 $0x180, s31;
	_ =	swait.ge [sflag:s19], $0x180  }
0x47: {  	[sflag:s19] =	ssyncset.done $0x0  }
0x48: {  	[sflag:s19] =	ssyncadd.s32 $0xFFFFFE80  }
0x49: {  	[tilespmem:s20], [sflag:$0x5] =	stream.linear.gather [hbm4b:s0+s3], $0x180, $0x38;
	[tilespmem:$0xDB00] =	vst v63  }
0x4a: {  	_ =	swait.ge [sflag:s19], $0x180  }
0x4b: {  	[sflag:s19] =	ssyncset.done $0x0  }
0x4c: {  	[sflag:s19] =	ssyncadd.s32 $0xFFFFFE80  }
0x4d: {  	[tilespmem:s21], [sflag:$0x1] =	stream.indirect.gather [hbm4b:s1+s20], $0x40, s3, s20, $0xb8;
	[tilespmem:$0xDB00] =	vst v63  }
0x4e: {  	_ = 	snop  }
0x4f: {  	[tilespmem:s22], [sflag:$0x2] =	stream.indirect.gather [hbm4b:s4+s20], $0x40, s20, s20, $0xb8;
	[tilespmem:$0xDB00] =	vst v63  }
0x50: {  	_ = 	snop  }
0x51: {  	[tilespmem:s23], [sflag:$0x3] =	stream.indirect.gather [hbm4b:s5+s20], $0x8, s3, s20, $0xb8;
	[tilespmem:$0xDB00] =	vst v63  }
0x52: {  	_ = 	snop  }
0x53: {  	[tilespmem:s24], [sflag:$0x4] =	stream.indirect.gather [hbm4b:s5+s20], $0x8, s20, s20, $0xb8;
	[tilespmem:$0xDB00] =	vst v63  }
0x54: {  	_ =	swait.ge [sflag:s25], $0x6000  }
0x55: {  	[sflag:s25] =	ssyncset.done $0x0  }
0x56: {  	[sflag:s25] =	ssyncadd.s32 $0xFFFFA000  }
0x57: {  	[hbm4b:s15+s3] =	stream.linear.scatter [tilespmem:s21], [sflag:$0x5], $0x6000, $0x38;
	[tilespmem:$0xDB00] =	vst v63  }
0x58: {  	_ =	swait.ge [sflag:s19], $0x6000  }
0x59: {  	[sflag:s19] =	ssyncset.done $0x0  }
0x5a: {  	[sflag:s19] =	ssyncadd.s32 $0xFFFFA000  }
0x5b: {  	_ =	swait.ge [sflag:s26], $0x6000  }
0x5c: {  	[sflag:s26] =	ssyncset.done $0x0  }
0x5d: {  	[sflag:s26] =	ssyncadd.s32 $0xFFFFA000  }
0x5e: {  	[hbm4b:s16+s3] =	stream.linear.scatter [tilespmem:s22], [sflag:$0x5], $0x6000, $0x38;
	[tilespmem:$0xDB00] =	vst v63  }
0x5f: {  	_ =	swait.ge [sflag:s19], $0x6000  }
0x60: {  	[sflag:s19] =	ssyncset.done $0x0  }
0x61: {  	[sflag:s19] =	ssyncadd.s32 $0xFFFFA000  }
0x62: {  	_ =	swait.ge [sflag:s28], $0xC00  }
0x63: {  	[sflag:s28] =	ssyncset.done $0x0  }
0x64: {  	s9 =	sadd.s32 s8, s13;
	[sflag:s28] =	ssyncadd.s32 $0xFFFFF400  }
0x65: {  	[hbm4b:s9+s3] =	stream.linear.scatter [tilespmem:s23], [sflag:$0x5], $0xC00, $0x38;
	[tilespmem:$0xDB00] =	vst v63  }
0x66: {  	_ =	swait.ge [sflag:s19], $0xC00  }
0x67: {  	[sflag:s19] =	ssyncset.done $0x0  }
0x68: {  	[sflag:s19] =	ssyncadd.s32 $0xFFFFF400  }
0x69: {  	_ =	swait.ge [sflag:s29], $0xC00  }
.Ltmp0:
0x6a: {  	[sflag:s29] =	ssyncset.done $0x0;
	(pc) =	sbr.rel @p1 .LBB2_2-.Ltmp0, $4  }
0x6b: {  	s8 =	sadd.s32 s8, s14;
	[sflag:s29] =	ssyncadd.s32 $0xFFFFF400  }
0x6c: {  	[hbm4b:s8+s3] =	stream.linear.scatter [tilespmem:s24], [sflag:$0x5], $0xC00, $0x38;
	[tilespmem:$0xDB00] =	vst v63  }
0x6d: {  	_ =	swait.ge [sflag:s19], $0xC00  }
0x6e: {  	s2 =	sadd.s32 $0x30, s2;
	s0 =	sadd.s32 $0x30, s0;
	[sflag:s19] =	ssyncset.done $0x0  }
0x6f: {  	[sflag:s19] =	ssyncadd.s32 $0xFFFFF400;
	s0 =	simm.s32 @!p0 $0x0;
	s2 =	rddreg [dreg:$0x3]  }
0x70: {  	[tilespmem:s0], [sflag:$0x5] =	stream.linear.gather @!p0 [hbm4b:s2+s0], $0x80, $0x38;
	[tilespmem:$0xDB00] =	vst v63  }
0x71: {  	s2 =	simm.s32 @!p0 $0x5  }
0x72: {  	_ =	swait.ge @!p0 [sflag:s2], $0x80  }
0x73: {  	[sflag:s2] =	ssyncset.done @!p0 $0x0  }
0x74: {  	s8 =	simm.s32 @!p0 $0x180;
	s9 =	rddreg [dreg:$0x4];
	[sflag:s2] =	ssyncadd.s32 @!p0 $0xFFFFFF80  }
0x75: {  	[tilespmem:s8], [sflag:$0x5] =	stream.linear.gather @!p0 [hbm4b:s9+s0], $0x80, $0x38;
	[tilespmem:$0xDB00] =	vst v63  }
0x76: {  	_ =	swait.ge @!p0 [sflag:s2], $0x80  }
0x77: {  	[sflag:s2] =	ssyncset.done @!p0 $0x0  }
0x78: {  	s15 =	simm.s32 @!p0 $0x300;
	s9 =	simm.s32 @!p0 $0x80;
	[sflag:s2] =	ssyncadd.s32 @!p0 $0xFFFFFF80  }
0x79: {  	[tilespmem:s15], [sflag:$0x1] =	stream.indirect.gather @!p0 [hbm4b:s1+s9], $0x40, s0, s9, $0xb8;
	[tilespmem:$0xDB00] =	vst v63  }
0x7a: {  	s16 =	simm.s32 @!p0 $0x6300  }
0x7b: {  	[tilespmem:s16], [sflag:$0x2] =	stream.indirect.gather @!p0 [hbm4b:s4+s9], $0x40, s8, s9, $0xb8;
	[tilespmem:$0xDB00] =	vst v63  }
0x7c: {  	s31 =	simm.s32 @!p0 $0xC300  }
0x7d: {  	[tilespmem:s31], [sflag:$0x3] =	stream.indirect.gather @!p0 [hbm4b:s5+s9], $0x8, s0, s9, $0xb8;
	[tilespmem:$0xDB00] =	vst v63  }
0x7e: {  	s10 =	simm.s32 @!p0 $0xCF00  }
0x7f: {  	[tilespmem:s10], [sflag:$0x4] =	stream.indirect.gather @!p0 [hbm4b:s5+s9], $0x8, s8, s9, $0xb8;
	[tilespmem:$0xDB00] =	vst v63  }
0x80: {  	s8 =	simm.s32 @!p0 $0x1  }
0x81: {  	_ =	swait.ge @!p0 [sflag:s8], $0x2000  }
0x82: {  	[sflag:s8] =	ssyncset.done @!p0 $0x0  }
0x83: {  	[sflag:s8] =	ssyncadd.s32 @!p0 $0xFFFFE000;
	s8 =	rddreg [dreg:$0x5]  }
0x84: {  	[hbm4b:s8+s0] =	stream.linear.scatter @!p0 [tilespmem:s15], [sflag:$0x5], $0x2000, $0x38;
	[tilespmem:$0xDB00] =	vst v63  }
0x85: {  	_ =	swait.ge @!p0 [sflag:s2], $0x2000  }
0x86: {  	[sflag:s2] =	ssyncset.done @!p0 $0x0  }
0x87: {  	s8 =	simm.s32 @!p0 $0x2;
	[sflag:s2] =	ssyncadd.s32 @!p0 $0xFFFFE000  }
0x88: {  	_ =	swait.ge @!p0 [sflag:s8], $0x2000  }
0x89: {  	[sflag:s8] =	ssyncset.done @!p0 $0x0  }
0x8a: {  	[sflag:s8] =	ssyncadd.s32 @!p0 $0xFFFFE000;
	s8 =	rddreg [dreg:$0x6]  }
0x8b: {  	[hbm4b:s8+s0] =	stream.linear.scatter @!p0 [tilespmem:s16], [sflag:$0x5], $0x2000, $0x38;
	[tilespmem:$0xDB00] =	vst v63  }
0x8c: {  	_ =	swait.ge @!p0 [sflag:s2], $0x2000  }
0x8d: {  	[sflag:s2] =	ssyncset.done @!p0 $0x0  }
0x8e: {  	s8 =	simm.s32 @!p0 $0x3;
	[sflag:s2] =	ssyncadd.s32 @!p0 $0xFFFFE000  }
0x8f: {  	_ =	swait.ge @!p0 [sflag:s8], $0x400  }
0x90: {  	[sflag:s8] =	ssyncset.done @!p0 $0x0  }
0x91: {  	[sflag:s8] =	ssyncadd.s32 @!p0 $0xFFFFFC00;
	s8 =	rddreg [dreg:$0x7]  }
0x92: {  	[hbm4b:s8+s0] =	stream.linear.scatter @!p0 [tilespmem:s31], [sflag:$0x5], $0x400, $0x38;
	[tilespmem:$0xDB00] =	vst v63  }
0x93: {  	_ =	swait.ge @!p0 [sflag:s2], $0x400  }
0x94: {  	[sflag:s2] =	ssyncset.done @!p0 $0x0  }
0x95: {  	s8 =	simm.s32 @!p0 $0x4;
	[sflag:s2] =	ssyncadd.s32 @!p0 $0xFFFFFC00  }
0x96: {  	s30 =	sadd.s32 $0x1, s30;
	_ =	swait.ge @!p0 [sflag:s8], $0x400  }
0x97: {  	p1 =	sne.s32 s30, s12;
	[sflag:s8] =	ssyncset.done @!p0 $0x0  }
.Ltmp1:
0x98: {  	[sflag:s8] =	ssyncadd.s32 @!p0 $0xFFFFFC00;
	(pc) =	sbr.rel @p1 .LBB2_1-.Ltmp1, $4  }
0x99: {  	[hbm4b:s11+s0] =	stream.linear.scatter @!p0 [tilespmem:s10], [sflag:$0x5], $0x400, $0x38;
	[tilespmem:$0xDB00] =	vst v63  }
0x9a: {  	_ =	swait.ge @!p0 [sflag:s2], $0x400  }
0x9b: {  	[sflag:s2] =	ssyncset.done @!p0 $0x0  }
0x9c: {  	[sflag:s2] =	ssyncadd.s32 @!p0 $0xFFFFFC00  }
0x9d: {  	_ =	sfence.sel $0x180000  }
0x9e: {  	[bflag:$0x0] =	sbarrier.arrive $0xFFFF  }
0x9f: {  	_ =	strace $0x90000047  }
0xa0: {  	s0 =	stileid.u32;
	[bflag:$0x2] =	sbarrier.arrive $0xFFFF  }
0xa1: {  	p0 =	sne.s32 s0, $0x0;
	s0 =	rddreg [dreg:$0x2]  }
0xa2: {  	s0 =	sadd.s32 @!p0 $0x100000, s0  }
0xa3: {  	[sflag:s0] =	ssyncadd.tile.s32 @!p0 $0x1;
	_ =	shalt  }
.Lfunc_end2:
_tile_overlayer_lowered:
.L_overlay_start_2:
0xa4: {  	(tag) =	ssettag $0x2  }
0xa5: {  	s0 =	rddreg [dreg:$0x0];
	s2 =	stileid.u32  }
0xa6: {  	s1 =	rddreg [dreg:$0x1];
	p0 =	sne.s32 s2, $0x0  }
0xa7: {  	s3 =	rddreg [dreg:$0x2];
	[bflag:$0x3] =	sbarrier.arrive $0xFFFF;
	s2 =	simm.s32 @!p0 $0x1C05  }
0xa8: {  	[timem:s3], [sflag:s2] =	dma.local @!p0 [hbm:s0], s1  }
0xa9: {  	s0 =	simm.s32 @!p0 $0x5  }
0xaa: {  	_ =	swait.ge @!p0 [sflag:s0], s1  }
0xab: {  	s1 =	ssub.s32 @!p0 $0x0, s1;
	[sflag:s0] =	ssyncset.done @!p0 $0x0  }
0xac: {  	[sflag:s0] =	ssyncadd.s32 @!p0 s1  }
0xad: {  	[bflag:$0x3] =	sbarrier.arrive $0xFFFF  }
0xae: {  	_ =	shalt  }

</sc_bundles>
